<compile_context>
chip_gen: v7x
topology: tpu7x:2x2x1
jax: 0.10.2.dev20260603
libtpu: 0.0.44.dev20260713+nightly
codegen_flags: <defaults>
</compile_context>

<pallas_src>
import functools

import jax
import jax.numpy as jnp
from jax import lax
from jax.experimental import pallas as pl
from jax.experimental.pallas import tpu as pltpu
from jax.experimental.pallas import tpu_sc as plsc

_K = 1000
_D = 128
_B = 16384
_ALPHA = 0.1

_NC = 2
_NS = 16
_NW = _NC * _NS
_BPW = _B // _NW
_CH = 128
_NCH = _BPW // _CH
_L = 16


def _sc_body(feat_hbm, labels_hbm, centers_hbm, weights_hbm, out_hbm,
             labels_v, wv, wexp, crow, feat0, feat1, stage,
             sem_w, sem_c0, sem_c1, sem_c2, sem_c3, sem_f0, sem_f1):
    cid = lax.axis_index("c")
    sid = lax.axis_index("s")
    wid = sid * _NC + cid
    base = wid * _BPW

    feats = (feat0, feat1)
    semf = (sem_f0, sem_f1)
    semc = (sem_c0, sem_c1, sem_c2, sem_c3)

    def start_feat(ci):
        buf = ci % 2
        return pltpu.async_copy(feat_hbm.at[pl.ds(base + ci * _CH, _CH)],
                                feats[buf], semf[buf])

    fcopies = [start_feat(0), start_feat(1)]

    pltpu.sync_copy(labels_hbm.at[pl.ds(base, _BPW)], labels_v)

    ccopies = [
        pltpu.async_copy(centers_hbm.at[labels_v.at[pl.ds(i * _CH, _CH)]],
                         crow.at[pl.ds(i * _CH, _CH)], semc[i])
        for i in range(_NCH)
    ]
    wcopies = [
        pltpu.async_copy(weights_hbm.at[labels_v.at[pl.ds(i * _CH, _CH)]],
                         wv.at[pl.ds(i * _CH, _CH)], sem_w)
        for i in range(_NCH)
    ]
    for w in wcopies:
        w.wait()

    def wexp_body(g, z):
        wvec = wv[pl.ds(g * _L, _L)]
        for l in range(_L):
            wexp[pl.ds((g * _L + l) * _L, _L)] = jnp.broadcast_to(wvec[l],
                                                                  (_L,))
        return z

    lax.fori_loop(0, _BPW // _L, wexp_body, 0)

    total = tuple(jnp.zeros((_L,), jnp.float32) for _ in range(4))
    for ci in range(_NCH):
        buf = ci % 2
        ccopies[ci].wait()
        fcopies[ci].wait()

        feat_ref = feats[buf]
        off = ci * _CH

        def samp_body(b, carry, _feat=feat_ref, _off=off):
            ts = list(carry)
            wb = wexp[pl.ds((_off + b) * _L, _L)]
            for j in range(_D // _L):
                f = _feat[b, pl.ds(j * _L, _L)]
                c = crow[_off + b, pl.ds(j * _L, _L)]
                dfc = f - c
                ts[j % 4] = ts[j % 4] + (wb * dfc) * dfc
            return tuple(ts)

        total = lax.fori_loop(0, _CH, samp_body, total, unroll=2)
        if ci + 2 < _NCH:
            fcopies.append(start_feat(ci + 2))

    stage[...] = (total[0] + total[1]) + (total[2] + total[3])
    pltpu.sync_copy(stage, out_hbm.at[wid])


@functools.partial(
    pl.kernel,
    mesh=plsc.VectorSubcoreMesh(core_axis_name="c", subcore_axis_name="s"),
    out_type=jax.ShapeDtypeStruct((_NW, _L), jnp.float32),
    scratch_types=[
        pltpu.VMEM((_BPW,), jnp.int32),
        pltpu.VMEM((_BPW,), jnp.float32),
        pltpu.VMEM((_BPW * _L,), jnp.float32),
        pltpu.VMEM((_BPW, _D), jnp.float32),
        pltpu.VMEM((_CH, _D), jnp.float32),
        pltpu.VMEM((_CH, _D), jnp.float32),
        pltpu.VMEM((_L,), jnp.float32),
        pltpu.SemaphoreType.DMA,
        pltpu.SemaphoreType.DMA,
        pltpu.SemaphoreType.DMA,
        pltpu.SemaphoreType.DMA,
        pltpu.SemaphoreType.DMA,
        pltpu.SemaphoreType.DMA,
        pltpu.SemaphoreType.DMA,
    ],
)
def _sc_term1(feat_hbm, labels_hbm, centers_hbm, weights_hbm, out_hbm,
              *scratch):
    _sc_body(feat_hbm, labels_hbm, centers_hbm, weights_hbm, out_hbm,
             *scratch)


def _combine_body(c_ref, p_ref, out_ref):
    c = c_ref[...]
    cc = c * c
    q = jnp.sum(cc)
    s = jnp.sum(c, axis=0, keepdims=True)
    t2 = _K * q - jnp.sum(s * s)
    t1 = 0.5 * jnp.sum(p_ref[...]) / _B
    out_ref[0, 0] = t1 - _ALPHA * t2 / float(_K * _K)


def _combine(centers, partials):
    return pl.pallas_call(
        _combine_body,
        out_shape=jax.ShapeDtypeStruct((1, 1), jnp.float32),
        out_specs=pl.BlockSpec(memory_space=pltpu.SMEM),
    )(centers, partials)


def kernel(feat_vec, labels, centers, weights):
    labels = labels.astype(jnp.int32)
    partials = _sc_term1(feat_vec, labels, centers, weights)
    return _combine(centers, partials)[0, 0]

# --- scband reference (transcript-rebuilt; emitter-appended) ---
"""Pipeline reference for scband-cb-center-loss-27659589386903 (READ-ONLY COPY).

The authoritative reference and input builder live on the scoring server;
editing this copy changes nothing except your own understanding.
"""

import jax, jax.numpy as jnp
import numpy as np

NUM_CLASSES = 1000
FEAT_DIM = 128
BATCH = 16384
ALPHA = 0.1


def eu_dist(a, b):
    # pairwise squared euclidean distance between rows of a and rows of b
    a2 = jnp.sum(a * a, axis=1, keepdims=True)
    b2 = jnp.sum(b * b, axis=1, keepdims=True).T
    d = a2 + b2 - 2.0 * (a @ b.T)
    return jnp.maximum(d, 0.0)


def setup_inputs(seed: int = 0) -> dict:
    key = jax.random.key(seed)
    k1, k2, k3 = jax.random.split(key, 3)
    feat_vec = jax.random.normal(k1, (BATCH, FEAT_DIM), dtype=jnp.float32)
    labels = jax.random.randint(k2, (BATCH,), 0, NUM_CLASSES)
    centers = jax.random.normal(k3, (NUM_CLASSES, FEAT_DIM), dtype=jnp.float32)  # nn.Parameter
    weights = jnp.ones((NUM_CLASSES,), dtype=jnp.float32)  # per-class weight buffer
    return {"feat_vec": feat_vec, "labels": labels, "centers": centers, "weights": weights}


def reference(feat_vec, labels, centers, weights):
    center = jnp.take(centers, labels, axis=0)          # gather [B, D]
    w = jnp.take(weights, labels, axis=0)               # gather [B]
    dist = jnp.sum((feat_vec - center) ** 2, axis=-1)   # [B]
    dist = w * dist
    loss = 0.5 * jnp.mean(jnp.clip(dist, 1e-12, 1e12))
    # alpha > 0 and alpha_dist == 'eu'
    intercenter = eu_dist(centers, centers)             # [K, K]
    intercenter = jnp.triu(intercenter, k=1)
    dist_num = jnp.sum(intercenter >= 0)                # counts all K*K entries (faithful to .ge(0))
    loss = loss - ALPHA * jnp.sum(intercenter) / dist_num
    return loss

if __name__ == "__main__":
    import jax
    _d = setup_inputs()
    print(jax.jit(kernel)(*tuple(_d.values())))

</pallas_src>

<mosaic_0001>
#map = affine_map<(d0, d1) -> (0, 0)>
#map1 = affine_map<(d0, d1) -> (0)>
module attributes {stable_mosaic.version = 14 : i64} {
  func.func @_sc_term1(%arg0: i32, %arg1: i32, %arg2: memref<16384x128xf32, #tpu.memory_space<hbm>>, %arg3: memref<16384xi32, #tpu.memory_space<hbm>>, %arg4: memref<1000x128xf32, #tpu.memory_space<hbm>>, %arg5: memref<1000xf32, #tpu.memory_space<hbm>>, %arg6: memref<32x16xf32, #tpu.memory_space<hbm>>, %arg7: memref<512xi32, #tpu.memory_space<vmem>>, %arg8: memref<512xf32, #tpu.memory_space<vmem>>, %arg9: memref<8192xf32, #tpu.memory_space<vmem>>, %arg10: memref<512x128xf32, #tpu.memory_space<vmem>>, %arg11: memref<128x128xf32, #tpu.memory_space<vmem>>, %arg12: memref<128x128xf32, #tpu.memory_space<vmem>>, %arg13: memref<16xf32, #tpu.memory_space<vmem>>, %arg14: memref<!tpu.dma_semaphore, #tpu.memory_space<semaphore_mem>>, %arg15: memref<!tpu.dma_semaphore, #tpu.memory_space<semaphore_mem>>, %arg16: memref<!tpu.dma_semaphore, #tpu.memory_space<semaphore_mem>>, %arg17: memref<!tpu.dma_semaphore, #tpu.memory_space<semaphore_mem>>, %arg18: memref<!tpu.dma_semaphore, #tpu.memory_space<semaphore_mem>>, %arg19: memref<!tpu.dma_semaphore, #tpu.memory_space<semaphore_mem>>, %arg20: memref<!tpu.dma_semaphore, #tpu.memory_space<semaphore_mem>>) attributes {dimension_semantics = [#tpu.dimension_semantics<core_parallel>, #tpu.dimension_semantics<subcore_parallel>], iteration_bounds = array<i64: 2, 16>, scalar_prefetch = 0 : i64, scratch_operands = 14 : i64, tpu.core_type = #tpu.core_type<sc_vector_subcore>, window_params = [{transform_indices = #map}, {transform_indices = #map1}, {transform_indices = #map}, {transform_indices = #map1}, {transform_indices = #map}]} {
    %mul3A = arith.constant 2 : i32
    %mul3A_0 = arith.muli %arg1, %mul3A : i32
    %add3A = arith.addi %mul3A_0, %arg0 : i32
    %mul3A_1 = arith.constant 512 : i32
    %mul3A_2 = arith.muli %add3A, %mul3A_1 : i32
    %add3A_3 = arith.constant 0 : i32
    %add3A_4 = arith.addi %mul3A_2, %add3A_3 : i32
    %dma_start3A = arith.constant 0 : i32
    %dma_start3A_5 = tpu.memref_slice %arg2[%add3A_4, %dma_start3A] : memref<16384x128xf32, #tpu.memory_space<hbm>> -> memref<128x128xf32, #tpu.memory_space<hbm>>
    %dma_start3A_6 = arith.constant 0 : i32
    %dma_start3A_7 = tpu.memref_slice %arg2[%add3A_4, %dma_start3A_6] : memref<16384x128xf32, #tpu.memory_space<hbm>> -> memref<128x128xf32, #tpu.memory_space<hbm>>
    tpu.enqueue_dma source(%dma_start3A_7 : memref<128x128xf32, #tpu.memory_space<hbm>>) target(%arg11 : memref<128x128xf32, #tpu.memory_space<vmem>>) target_semaphore(%arg19 : memref<!tpu.dma_semaphore, #tpu.memory_space<semaphore_mem>>)
    %add3A_8 = arith.constant 128 : i32
    %add3A_9 = arith.addi %mul3A_2, %add3A_8 : i32
    %dma_start3A_10 = arith.constant 0 : i32
    %dma_start3A_11 = tpu.memref_slice %arg2[%add3A_9, %dma_start3A_10] : memref<16384x128xf32, #tpu.memory_space<hbm>> -> memref<128x128xf32, #tpu.memory_space<hbm>>
    %dma_start3A_12 = arith.constant 0 : i32
    %dma_start3A_13 = tpu.memref_slice %arg2[%add3A_9, %dma_start3A_12] : memref<16384x128xf32, #tpu.memory_space<hbm>> -> memref<128x128xf32, #tpu.memory_space<hbm>>
    tpu.enqueue_dma source(%dma_start3A_13 : memref<128x128xf32, #tpu.memory_space<hbm>>) target(%arg12 : memref<128x128xf32, #tpu.memory_space<vmem>>) target_semaphore(%arg20 : memref<!tpu.dma_semaphore, #tpu.memory_space<semaphore_mem>>)
    "tpu.region"() ({
      %run_scoped3A = tpu.sem_alloc : memref<!tpu.dma_semaphore, #tpu.memory_space<semaphore_mem>>
      %dma_start3A_195 = tpu.memref_slice %arg3[%mul3A_2] : memref<16384xi32, #tpu.memory_space<hbm>> -> memref<512xi32, #tpu.memory_space<hbm>>
      %dma_start3A_196 = tpu.memref_slice %arg3[%mul3A_2] : memref<16384xi32, #tpu.memory_space<hbm>> -> memref<512xi32, #tpu.memory_space<hbm>>
      tpu.enqueue_dma source(%dma_start3A_196 : memref<512xi32, #tpu.memory_space<hbm>>) target(%arg7 : memref<512xi32, #tpu.memory_space<vmem>>) target_semaphore(%run_scoped3A : memref<!tpu.dma_semaphore, #tpu.memory_space<semaphore_mem>>)
      %dma_wait3A_197 = tpu.memref_slice %arg3[%mul3A_2] : memref<16384xi32, #tpu.memory_space<hbm>> -> memref<512xi32, #tpu.memory_space<hbm>>
      %dma_wait3A_198 = tpu.memref_slice %arg3[%mul3A_2] : memref<16384xi32, #tpu.memory_space<hbm>> -> memref<512xi32, #tpu.memory_space<hbm>>
      tpu.wait_dma2 semaphore(%run_scoped3A : memref<!tpu.dma_semaphore, #tpu.memory_space<semaphore_mem>>) src(%dma_wait3A_198 : memref<512xi32, #tpu.memory_space<hbm>>) dst(%arg7 : memref<512xi32, #tpu.memory_space<vmem>>)
      tpu.yield
    }) : () -> ()
    %dma_start3A_14 = arith.constant 0 : i32
    %dma_start3A_15 = arith.constant 0 : i32
    %dma_start3A_16 = tpu.memref_slice %arg10[%dma_start3A_14, %dma_start3A_15] : memref<512x128xf32, #tpu.memory_space<vmem>> -> memref<128x128xf32, #tpu.memory_space<vmem>>
    %dma_start3A_17 = arith.constant 0 : i32
    %dma_start3A_18 = tpu.memref_slice %arg7[%dma_start3A_17] : memref<512xi32, #tpu.memory_space<vmem>> -> memref<128xi32, #tpu.memory_space<vmem>>
    %dma_start3A_19 = arith.constant 0 : i32
    %dma_start3A_20 = arith.constant 0 : i32
    %dma_start3A_21 = tpu.memref_slice %arg4[%dma_start3A_19, %dma_start3A_20] : memref<1000x128xf32, #tpu.memory_space<hbm>> -> memref<1000x128xf32, #tpu.memory_space<hbm>>
    tpu.enqueue_indirect_dma source(%dma_start3A_21 : memref<1000x128xf32, #tpu.memory_space<hbm>>) target(%dma_start3A_16 : memref<128x128xf32, #tpu.memory_space<vmem>>) offsets(%dma_start3A_18 : memref<128xi32, #tpu.memory_space<vmem>>) semaphore(%arg15 : memref<!tpu.dma_semaphore, #tpu.memory_space<semaphore_mem>>)
    %dma_start3A_22 = arith.constant 128 : i32
    %dma_start3A_23 = arith.constant 0 : i32
    %dma_start3A_24 = tpu.memref_slice %arg10[%dma_start3A_22, %dma_start3A_23] : memref<512x128xf32, #tpu.memory_space<vmem>> -> memref<128x128xf32, #tpu.memory_space<vmem>>
    %dma_start3A_25 = arith.constant 128 : i32
    %dma_start3A_26 = tpu.memref_slice %arg7[%dma_start3A_25] : memref<512xi32, #tpu.memory_space<vmem>> -> memref<128xi32, #tpu.memory_space<vmem>>
    %dma_start3A_27 = arith.constant 0 : i32
    %dma_start3A_28 = arith.constant 0 : i32
    %dma_start3A_29 = tpu.memref_slice %arg4[%dma_start3A_27, %dma_start3A_28] : memref<1000x128xf32, #tpu.memory_space<hbm>> -> memref<1000x128xf32, #tpu.memory_space<hbm>>
    tpu.enqueue_indirect_dma source(%dma_start3A_29 : memref<1000x128xf32, #tpu.memory_space<hbm>>) target(%dma_start3A_24 : memref<128x128xf32, #tpu.memory_space<vmem>>) offsets(%dma_start3A_26 : memref<128xi32, #tpu.memory_space<vmem>>) semaphore(%arg16 : memref<!tpu.dma_semaphore, #tpu.memory_space<semaphore_mem>>)
    %dma_start3A_30 = arith.constant 256 : i32
    %dma_start3A_31 = arith.constant 0 : i32
    %dma_start3A_32 = tpu.memref_slice %arg10[%dma_start3A_30, %dma_start3A_31] : memref<512x128xf32, #tpu.memory_space<vmem>> -> memref<128x128xf32, #tpu.memory_space<vmem>>
    %dma_start3A_33 = arith.constant 256 : i32
    %dma_start3A_34 = tpu.memref_slice %arg7[%dma_start3A_33] : memref<512xi32, #tpu.memory_space<vmem>> -> memref<128xi32, #tpu.memory_space<vmem>>
    %dma_start3A_35 = arith.constant 0 : i32
    %dma_start3A_36 = arith.constant 0 : i32
    %dma_start3A_37 = tpu.memref_slice %arg4[%dma_start3A_35, %dma_start3A_36] : memref<1000x128xf32, #tpu.memory_space<hbm>> -> memref<1000x128xf32, #tpu.memory_space<hbm>>
    tpu.enqueue_indirect_dma source(%dma_start3A_37 : memref<1000x128xf32, #tpu.memory_space<hbm>>) target(%dma_start3A_32 : memref<128x128xf32, #tpu.memory_space<vmem>>) offsets(%dma_start3A_34 : memref<128xi32, #tpu.memory_space<vmem>>) semaphore(%arg17 : memref<!tpu.dma_semaphore, #tpu.memory_space<semaphore_mem>>)
    %dma_start3A_38 = arith.constant 384 : i32
    %dma_start3A_39 = arith.constant 0 : i32
    %dma_start3A_40 = tpu.memref_slice %arg10[%dma_start3A_38, %dma_start3A_39] : memref<512x128xf32, #tpu.memory_space<vmem>> -> memref<128x128xf32, #tpu.memory_space<vmem>>
    %dma_start3A_41 = arith.constant 384 : i32
    %dma_start3A_42 = tpu.memref_slice %arg7[%dma_start3A_41] : memref<512xi32, #tpu.memory_space<vmem>> -> memref<128xi32, #tpu.memory_space<vmem>>
    %dma_start3A_43 = arith.constant 0 : i32
    %dma_start3A_44 = arith.constant 0 : i32
    %dma_start3A_45 = tpu.memref_slice %arg4[%dma_start3A_43, %dma_start3A_44] : memref<1000x128xf32, #tpu.memory_space<hbm>> -> memref<1000x128xf32, #tpu.memory_space<hbm>>
    tpu.enqueue_indirect_dma source(%dma_start3A_45 : memref<1000x128xf32, #tpu.memory_space<hbm>>) target(%dma_start3A_40 : memref<128x128xf32, #tpu.memory_space<vmem>>) offsets(%dma_start3A_42 : memref<128xi32, #tpu.memory_space<vmem>>) semaphore(%arg18 : memref<!tpu.dma_semaphore, #tpu.memory_space<semaphore_mem>>)
    %dma_start3A_46 = arith.constant 0 : i32
    %dma_start3A_47 = tpu.memref_slice %arg8[%dma_start3A_46] : memref<512xf32, #tpu.memory_space<vmem>> -> memref<128xf32, #tpu.memory_space<vmem>>
    %dma_start3A_48 = arith.constant 0 : i32
    %dma_start3A_49 = tpu.memref_slice %arg7[%dma_start3A_48] : memref<512xi32, #tpu.memory_space<vmem>> -> memref<128xi32, #tpu.memory_space<vmem>>
    %dma_start3A_50 = arith.constant 0 : i32
    %dma_start3A_51 = tpu.memref_slice %arg5[%dma_start3A_50] : memref<1000xf32, #tpu.memory_space<hbm>> -> memref<1000xf32, #tpu.memory_space<hbm>>
    tpu.enqueue_indirect_dma source(%dma_start3A_51 : memref<1000xf32, #tpu.memory_space<hbm>>) target(%dma_start3A_47 : memref<128xf32, #tpu.memory_space<vmem>>) offsets(%dma_start3A_49 : memref<128xi32, #tpu.memory_space<vmem>>) semaphore(%arg14 : memref<!tpu.dma_semaphore, #tpu.memory_space<semaphore_mem>>)
    %dma_start3A_52 = arith.constant 128 : i32
    %dma_start3A_53 = tpu.memref_slice %arg8[%dma_start3A_52] : memref<512xf32, #tpu.memory_space<vmem>> -> memref<128xf32, #tpu.memory_space<vmem>>
    %dma_start3A_54 = arith.constant 128 : i32
    %dma_start3A_55 = tpu.memref_slice %arg7[%dma_start3A_54] : memref<512xi32, #tpu.memory_space<vmem>> -> memref<128xi32, #tpu.memory_space<vmem>>
    %dma_start3A_56 = arith.constant 0 : i32
    %dma_start3A_57 = tpu.memref_slice %arg5[%dma_start3A_56] : memref<1000xf32, #tpu.memory_space<hbm>> -> memref<1000xf32, #tpu.memory_space<hbm>>
    tpu.enqueue_indirect_dma source(%dma_start3A_57 : memref<1000xf32, #tpu.memory_space<hbm>>) target(%dma_start3A_53 : memref<128xf32, #tpu.memory_space<vmem>>) offsets(%dma_start3A_55 : memref<128xi32, #tpu.memory_space<vmem>>) semaphore(%arg14 : memref<!tpu.dma_semaphore, #tpu.memory_space<semaphore_mem>>)
    %dma_start3A_58 = arith.constant 256 : i32
    %dma_start3A_59 = tpu.memref_slice %arg8[%dma_start3A_58] : memref<512xf32, #tpu.memory_space<vmem>> -> memref<128xf32, #tpu.memory_space<vmem>>
    %dma_start3A_60 = arith.constant 256 : i32
    %dma_start3A_61 = tpu.memref_slice %arg7[%dma_start3A_60] : memref<512xi32, #tpu.memory_space<vmem>> -> memref<128xi32, #tpu.memory_space<vmem>>
    %dma_start3A_62 = arith.constant 0 : i32
    %dma_start3A_63 = tpu.memref_slice %arg5[%dma_start3A_62] : memref<1000xf32, #tpu.memory_space<hbm>> -> memref<1000xf32, #tpu.memory_space<hbm>>
    tpu.enqueue_indirect_dma source(%dma_start3A_63 : memref<1000xf32, #tpu.memory_space<hbm>>) target(%dma_start3A_59 : memref<128xf32, #tpu.memory_space<vmem>>) offsets(%dma_start3A_61 : memref<128xi32, #tpu.memory_space<vmem>>) semaphore(%arg14 : memref<!tpu.dma_semaphore, #tpu.memory_space<semaphore_mem>>)
    %dma_start3A_64 = arith.constant 384 : i32
    %dma_start3A_65 = tpu.memref_slice %arg8[%dma_start3A_64] : memref<512xf32, #tpu.memory_space<vmem>> -> memref<128xf32, #tpu.memory_space<vmem>>
    %dma_start3A_66 = arith.constant 384 : i32
    %dma_start3A_67 = tpu.memref_slice %arg7[%dma_start3A_66] : memref<512xi32, #tpu.memory_space<vmem>> -> memref<128xi32, #tpu.memory_space<vmem>>
    %dma_start3A_68 = arith.constant 0 : i32
    %dma_start3A_69 = tpu.memref_slice %arg5[%dma_start3A_68] : memref<1000xf32, #tpu.memory_space<hbm>> -> memref<1000xf32, #tpu.memory_space<hbm>>
    tpu.enqueue_indirect_dma source(%dma_start3A_69 : memref<1000xf32, #tpu.memory_space<hbm>>) target(%dma_start3A_65 : memref<128xf32, #tpu.memory_space<vmem>>) offsets(%dma_start3A_67 : memref<128xi32, #tpu.memory_space<vmem>>) semaphore(%arg14 : memref<!tpu.dma_semaphore, #tpu.memory_space<semaphore_mem>>)
    %dma_wait3A = arith.constant 0 : i32
    %dma_wait3A_70 = tpu.memref_slice %arg8[%dma_wait3A] : memref<512xf32, #tpu.memory_space<vmem>> -> memref<128xf32, #tpu.memory_space<vmem>>
    %dma_wait3A_71 = arith.constant 0 : i32
    %dma_wait3A_72 = tpu.memref_slice %arg7[%dma_wait3A_71] : memref<512xi32, #tpu.memory_space<vmem>> -> memref<128xi32, #tpu.memory_space<vmem>>
    %dma_wait3A_73 = arith.constant 0 : i32
    %dma_wait3A_74 = tpu.memref_slice %arg5[%dma_wait3A_73] : memref<1000xf32, #tpu.memory_space<hbm>> -> memref<1000xf32, #tpu.memory_space<hbm>>
    tpu.wait_indirect_dma semaphore(%arg14 : memref<!tpu.dma_semaphore, #tpu.memory_space<semaphore_mem>>) src(%dma_wait3A_74 : memref<1000xf32, #tpu.memory_space<hbm>>) dst(%dma_wait3A_70 : memref<128xf32, #tpu.memory_space<vmem>>)
    %dma_wait3A_75 = arith.constant 128 : i32
    %dma_wait3A_76 = tpu.memref_slice %arg8[%dma_wait3A_75] : memref<512xf32, #tpu.memory_space<vmem>> -> memref<128xf32, #tpu.memory_space<vmem>>
    %dma_wait3A_77 = arith.constant 128 : i32
    %dma_wait3A_78 = tpu.memref_slice %arg7[%dma_wait3A_77] : memref<512xi32, #tpu.memory_space<vmem>> -> memref<128xi32, #tpu.memory_space<vmem>>
    %dma_wait3A_79 = arith.constant 0 : i32
    %dma_wait3A_80 = tpu.memref_slice %arg5[%dma_wait3A_79] : memref<1000xf32, #tpu.memory_space<hbm>> -> memref<1000xf32, #tpu.memory_space<hbm>>
    tpu.wait_indirect_dma semaphore(%arg14 : memref<!tpu.dma_semaphore, #tpu.memory_space<semaphore_mem>>) src(%dma_wait3A_80 : memref<1000xf32, #tpu.memory_space<hbm>>) dst(%dma_wait3A_76 : memref<128xf32, #tpu.memory_space<vmem>>)
    %dma_wait3A_81 = arith.constant 256 : i32
    %dma_wait3A_82 = tpu.memref_slice %arg8[%dma_wait3A_81] : memref<512xf32, #tpu.memory_space<vmem>> -> memref<128xf32, #tpu.memory_space<vmem>>
    %dma_wait3A_83 = arith.constant 256 : i32
    %dma_wait3A_84 = tpu.memref_slice %arg7[%dma_wait3A_83] : memref<512xi32, #tpu.memory_space<vmem>> -> memref<128xi32, #tpu.memory_space<vmem>>
    %dma_wait3A_85 = arith.constant 0 : i32
    %dma_wait3A_86 = tpu.memref_slice %arg5[%dma_wait3A_85] : memref<1000xf32, #tpu.memory_space<hbm>> -> memref<1000xf32, #tpu.memory_space<hbm>>
    tpu.wait_indirect_dma semaphore(%arg14 : memref<!tpu.dma_semaphore, #tpu.memory_space<semaphore_mem>>) src(%dma_wait3A_86 : memref<1000xf32, #tpu.memory_space<hbm>>) dst(%dma_wait3A_82 : memref<128xf32, #tpu.memory_space<vmem>>)
    %dma_wait3A_87 = arith.constant 384 : i32
    %dma_wait3A_88 = tpu.memref_slice %arg8[%dma_wait3A_87] : memref<512xf32, #tpu.memory_space<vmem>> -> memref<128xf32, #tpu.memory_space<vmem>>
    %dma_wait3A_89 = arith.constant 384 : i32
    %dma_wait3A_90 = tpu.memref_slice %arg7[%dma_wait3A_89] : memref<512xi32, #tpu.memory_space<vmem>> -> memref<128xi32, #tpu.memory_space<vmem>>
    %dma_wait3A_91 = arith.constant 0 : i32
    %dma_wait3A_92 = tpu.memref_slice %arg5[%dma_wait3A_91] : memref<1000xf32, #tpu.memory_space<hbm>> -> memref<1000xf32, #tpu.memory_space<hbm>>
    tpu.wait_indirect_dma semaphore(%arg14 : memref<!tpu.dma_semaphore, #tpu.memory_space<semaphore_mem>>) src(%dma_wait3A_92 : memref<1000xf32, #tpu.memory_space<hbm>>) dst(%dma_wait3A_88 : memref<128xf32, #tpu.memory_space<vmem>>)
    %scan3A = arith.constant 0 : i32
    %scan3A_93 = arith.constant 0 : i32
    %scan3A_94 = arith.constant 32 : i32
    %scan3A_95 = arith.addi %scan3A_93, %scan3A_94 : i32
    %scan3A_96 = arith.constant 1 : i32
    scf.for %scan3A_195 = %scan3A_93 to %scan3A_95 step %scan3A_96  : i32 {
      %mul3A_196 = arith.constant 16 : i32
      %mul3A_197 = arith.muli %scan3A_195, %mul3A_196 : i32
      %get3A = arith.index_cast %mul3A_197 : i32 to index
      %get3A_198 = tpu.vector_load %arg8[%get3A] {strides = array<i32>} : memref<512xf32, #tpu.memory_space<vmem>>, vector<16xf32>,
      %get3A_199 = vector.shape_cast %get3A_198 : vector<16xf32> to vector<16xf32>
      %slice3A = vector.extract_strided_slice %get3A_199 {offsets = [0], sizes = [1], strides = [1]} : vector<16xf32> to vector<1xf32>
      %squeeze3A = vector.extract %slice3A[0] : f32 from vector<1xf32>
      %broadcast_in_dim3A_200 = vector.broadcast %squeeze3A : f32 to vector<16xf32>
      %mul3A_201 = arith.constant 16 : i32
      %mul3A_202 = arith.muli %scan3A_195, %mul3A_201 : i32
      %add3A_203 = arith.constant 0 : i32
      %add3A_204 = arith.addi %mul3A_202, %add3A_203 : i32
      %mul3A_205 = arith.constant 16 : i32
      %mul3A_206 = arith.muli %add3A_204, %mul3A_205 : i32
      %swap3A_207 = arith.index_cast %mul3A_206 : i32 to index
      %swap3A_208 = tpu.vector_load %arg9[%swap3A_207] {strides = array<i32>} : memref<8192xf32, #tpu.memory_space<vmem>>, vector<16xf32>,
      %swap3A_209 = vector.shape_cast %swap3A_208 : vector<16xf32> to vector<16xf32>
      %swap3A_210 = vector.shape_cast %broadcast_in_dim3A_200 : vector<16xf32> to vector<16xf32>
      tpu.vector_store %arg9[%swap3A_207], %swap3A_210 {strides = array<i32>} : memref<8192xf32, #tpu.memory_space<vmem>>, vector<16xf32>,
      %slice3A_211 = vector.extract_strided_slice %get3A_199 {offsets = [1], sizes = [1], strides = [1]} : vector<16xf32> to vector<1xf32>
      %squeeze3A_212 = vector.extract %slice3A_211[0] : f32 from vector<1xf32>
      %broadcast_in_dim3A_213 = vector.broadcast %squeeze3A_212 : f32 to vector<16xf32>
      %mul3A_214 = arith.constant 16 : i32
      %mul3A_215 = arith.muli %scan3A_195, %mul3A_214 : i32
      %add3A_216 = arith.constant 1 : i32
      %add3A_217 = arith.addi %mul3A_215, %add3A_216 : i32
      %mul3A_218 = arith.constant 16 : i32
      %mul3A_219 = arith.muli %add3A_217, %mul3A_218 : i32
      %swap3A_220 = arith.index_cast %mul3A_219 : i32 to index
      %swap3A_221 = tpu.vector_load %arg9[%swap3A_220] {strides = array<i32>} : memref<8192xf32, #tpu.memory_space<vmem>>, vector<16xf32>,
      %swap3A_222 = vector.shape_cast %swap3A_221 : vector<16xf32> to vector<16xf32>
      %swap3A_223 = vector.shape_cast %broadcast_in_dim3A_213 : vector<16xf32> to vector<16xf32>
      tpu.vector_store %arg9[%swap3A_220], %swap3A_223 {strides = array<i32>} : memref<8192xf32, #tpu.memory_space<vmem>>, vector<16xf32>,
      %slice3A_224 = vector.extract_strided_slice %get3A_199 {offsets = [2], sizes = [1], strides = [1]} : vector<16xf32> to vector<1xf32>
      %squeeze3A_225 = vector.extract %slice3A_224[0] : f32 from vector<1xf32>
      %broadcast_in_dim3A_226 = vector.broadcast %squeeze3A_225 : f32 to vector<16xf32>
      %mul3A_227 = arith.constant 16 : i32
      %mul3A_228 = arith.muli %scan3A_195, %mul3A_227 : i32
      %add3A_229 = arith.constant 2 : i32
      %add3A_230 = arith.addi %mul3A_228, %add3A_229 : i32
      %mul3A_231 = arith.constant 16 : i32
      %mul3A_232 = arith.muli %add3A_230, %mul3A_231 : i32
      %swap3A_233 = arith.index_cast %mul3A_232 : i32 to index
      %swap3A_234 = tpu.vector_load %arg9[%swap3A_233] {strides = array<i32>} : memref<8192xf32, #tpu.memory_space<vmem>>, vector<16xf32>,
      %swap3A_235 = vector.shape_cast %swap3A_234 : vector<16xf32> to vector<16xf32>
      %swap3A_236 = vector.shape_cast %broadcast_in_dim3A_226 : vector<16xf32> to vector<16xf32>
      tpu.vector_store %arg9[%swap3A_233], %swap3A_236 {strides = array<i32>} : memref<8192xf32, #tpu.memory_space<vmem>>, vector<16xf32>,
      %slice3A_237 = vector.extract_strided_slice %get3A_199 {offsets = [3], sizes = [1], strides = [1]} : vector<16xf32> to vector<1xf32>
      %squeeze3A_238 = vector.extract %slice3A_237[0] : f32 from vector<1xf32>
      %broadcast_in_dim3A_239 = vector.broadcast %squeeze3A_238 : f32 to vector<16xf32>
      %mul3A_240 = arith.constant 16 : i32
      %mul3A_241 = arith.muli %scan3A_195, %mul3A_240 : i32
      %add3A_242 = arith.constant 3 : i32
      %add3A_243 = arith.addi %mul3A_241, %add3A_242 : i32
      %mul3A_244 = arith.constant 16 : i32
      %mul3A_245 = arith.muli %add3A_243, %mul3A_244 : i32
      %swap3A_246 = arith.index_cast %mul3A_245 : i32 to index
      %swap3A_247 = tpu.vector_load %arg9[%swap3A_246] {strides = array<i32>} : memref<8192xf32, #tpu.memory_space<vmem>>, vector<16xf32>,
      %swap3A_248 = vector.shape_cast %swap3A_247 : vector<16xf32> to vector<16xf32>
      %swap3A_249 = vector.shape_cast %broadcast_in_dim3A_239 : vector<16xf32> to vector<16xf32>
      tpu.vector_store %arg9[%swap3A_246], %swap3A_249 {strides = array<i32>} : memref<8192xf32, #tpu.memory_space<vmem>>, vector<16xf32>,
      %slice3A_250 = vector.extract_strided_slice %get3A_199 {offsets = [4], sizes = [1], strides = [1]} : vector<16xf32> to vector<1xf32>
      %squeeze3A_251 = vector.extract %slice3A_250[0] : f32 from vector<1xf32>
      %broadcast_in_dim3A_252 = vector.broadcast %squeeze3A_251 : f32 to vector<16xf32>
      %mul3A_253 = arith.constant 16 : i32
      %mul3A_254 = arith.muli %scan3A_195, %mul3A_253 : i32
      %add3A_255 = arith.constant 4 : i32
      %add3A_256 = arith.addi %mul3A_254, %add3A_255 : i32
      %mul3A_257 = arith.constant 16 : i32
      %mul3A_258 = arith.muli %add3A_256, %mul3A_257 : i32
      %swap3A_259 = arith.index_cast %mul3A_258 : i32 to index
      %swap3A_260 = tpu.vector_load %arg9[%swap3A_259] {strides = array<i32>} : memref<8192xf32, #tpu.memory_space<vmem>>, vector<16xf32>,
      %swap3A_261 = vector.shape_cast %swap3A_260 : vector<16xf32> to vector<16xf32>
      %swap3A_262 = vector.shape_cast %broadcast_in_dim3A_252 : vector<16xf32> to vector<16xf32>
      tpu.vector_store %arg9[%swap3A_259], %swap3A_262 {strides = array<i32>} : memref<8192xf32, #tpu.memory_space<vmem>>, vector<16xf32>,
      %slice3A_263 = vector.extract_strided_slice %get3A_199 {offsets = [5], sizes = [1], strides = [1]} : vector<16xf32> to vector<1xf32>
      %squeeze3A_264 = vector.extract %slice3A_263[0] : f32 from vector<1xf32>
      %broadcast_in_dim3A_265 = vector.broadcast %squeeze3A_264 : f32 to vector<16xf32>
      %mul3A_266 = arith.constant 16 : i32
      %mul3A_267 = arith.muli %scan3A_195, %mul3A_266 : i32
      %add3A_268 = arith.constant 5 : i32
      %add3A_269 = arith.addi %mul3A_267, %add3A_268 : i32
      %mul3A_270 = arith.constant 16 : i32
      %mul3A_271 = arith.muli %add3A_269, %mul3A_270 : i32
      %swap3A_272 = arith.index_cast %mul3A_271 : i32 to index
      %swap3A_273 = tpu.vector_load %arg9[%swap3A_272] {strides = array<i32>} : memref<8192xf32, #tpu.memory_space<vmem>>, vector<16xf32>,
      %swap3A_274 = vector.shape_cast %swap3A_273 : vector<16xf32> to vector<16xf32>
      %swap3A_275 = vector.shape_cast %broadcast_in_dim3A_265 : vector<16xf32> to vector<16xf32>
      tpu.vector_store %arg9[%swap3A_272], %swap3A_275 {strides = array<i32>} : memref<8192xf32, #tpu.memory_space<vmem>>, vector<16xf32>,
      %slice3A_276 = vector.extract_strided_slice %get3A_199 {offsets = [6], sizes = [1], strides = [1]} : vector<16xf32> to vector<1xf32>
      %squeeze3A_277 = vector.extract %slice3A_276[0] : f32 from vector<1xf32>
      %broadcast_in_dim3A_278 = vector.broadcast %squeeze3A_277 : f32 to vector<16xf32>
      %mul3A_279 = arith.constant 16 : i32
      %mul3A_280 = arith.muli %scan3A_195, %mul3A_279 : i32
      %add3A_281 = arith.constant 6 : i32
      %add3A_282 = arith.addi %mul3A_280, %add3A_281 : i32
      %mul3A_283 = arith.constant 16 : i32
      %mul3A_284 = arith.muli %add3A_282, %mul3A_283 : i32
      %swap3A_285 = arith.index_cast %mul3A_284 : i32 to index
      %swap3A_286 = tpu.vector_load %arg9[%swap3A_285] {strides = array<i32>} : memref<8192xf32, #tpu.memory_space<vmem>>, vector<16xf32>,
      %swap3A_287 = vector.shape_cast %swap3A_286 : vector<16xf32> to vector<16xf32>
      %swap3A_288 = vector.shape_cast %broadcast_in_dim3A_278 : vector<16xf32> to vector<16xf32>
      tpu.vector_store %arg9[%swap3A_285], %swap3A_288 {strides = array<i32>} : memref<8192xf32, #tpu.memory_space<vmem>>, vector<16xf32>,
      %slice3A_289 = vector.extract_strided_slice %get3A_199 {offsets = [7], sizes = [1], strides = [1]} : vector<16xf32> to vector<1xf32>
      %squeeze3A_290 = vector.extract %slice3A_289[0] : f32 from vector<1xf32>
      %broadcast_in_dim3A_291 = vector.broadcast %squeeze3A_290 : f32 to vector<16xf32>
      %mul3A_292 = arith.constant 16 : i32
      %mul3A_293 = arith.muli %scan3A_195, %mul3A_292 : i32
      %add3A_294 = arith.constant 7 : i32
      %add3A_295 = arith.addi %mul3A_293, %add3A_294 : i32
      %mul3A_296 = arith.constant 16 : i32
      %mul3A_297 = arith.muli %add3A_295, %mul3A_296 : i32
      %swap3A_298 = arith.index_cast %mul3A_297 : i32 to index
      %swap3A_299 = tpu.vector_load %arg9[%swap3A_298] {strides = array<i32>} : memref<8192xf32, #tpu.memory_space<vmem>>, vector<16xf32>,
      %swap3A_300 = vector.shape_cast %swap3A_299 : vector<16xf32> to vector<16xf32>
      %swap3A_301 = vector.shape_cast %broadcast_in_dim3A_291 : vector<16xf32> to vector<16xf32>
      tpu.vector_store %arg9[%swap3A_298], %swap3A_301 {strides = array<i32>} : memref<8192xf32, #tpu.memory_space<vmem>>, vector<16xf32>,
      %slice3A_302 = vector.extract_strided_slice %get3A_199 {offsets = [8], sizes = [1], strides = [1]} : vector<16xf32> to vector<1xf32>
      %squeeze3A_303 = vector.extract %slice3A_302[0] : f32 from vector<1xf32>
      %broadcast_in_dim3A_304 = vector.broadcast %squeeze3A_303 : f32 to vector<16xf32>
      %mul3A_305 = arith.constant 16 : i32
      %mul3A_306 = arith.muli %scan3A_195, %mul3A_305 : i32
      %add3A_307 = arith.constant 8 : i32
      %add3A_308 = arith.addi %mul3A_306, %add3A_307 : i32
      %mul3A_309 = arith.constant 16 : i32
      %mul3A_310 = arith.muli %add3A_308, %mul3A_309 : i32
      %swap3A_311 = arith.index_cast %mul3A_310 : i32 to index
      %swap3A_312 = tpu.vector_load %arg9[%swap3A_311] {strides = array<i32>} : memref<8192xf32, #tpu.memory_space<vmem>>, vector<16xf32>,
      %swap3A_313 = vector.shape_cast %swap3A_312 : vector<16xf32> to vector<16xf32>
      %swap3A_314 = vector.shape_cast %broadcast_in_dim3A_304 : vector<16xf32> to vector<16xf32>
      tpu.vector_store %arg9[%swap3A_311], %swap3A_314 {strides = array<i32>} : memref<8192xf32, #tpu.memory_space<vmem>>, vector<16xf32>,
      %slice3A_315 = vector.extract_strided_slice %get3A_199 {offsets = [9], sizes = [1], strides = [1]} : vector<16xf32> to vector<1xf32>
      %squeeze3A_316 = vector.extract %slice3A_315[0] : f32 from vector<1xf32>
      %broadcast_in_dim3A_317 = vector.broadcast %squeeze3A_316 : f32 to vector<16xf32>
      %mul3A_318 = arith.constant 16 : i32
      %mul3A_319 = arith.muli %scan3A_195, %mul3A_318 : i32
      %add3A_320 = arith.constant 9 : i32
      %add3A_321 = arith.addi %mul3A_319, %add3A_320 : i32
      %mul3A_322 = arith.constant 16 : i32
      %mul3A_323 = arith.muli %add3A_321, %mul3A_322 : i32
      %swap3A_324 = arith.index_cast %mul3A_323 : i32 to index
      %swap3A_325 = tpu.vector_load %arg9[%swap3A_324] {strides = array<i32>} : memref<8192xf32, #tpu.memory_space<vmem>>, vector<16xf32>,
      %swap3A_326 = vector.shape_cast %swap3A_325 : vector<16xf32> to vector<16xf32>
      %swap3A_327 = vector.shape_cast %broadcast_in_dim3A_317 : vector<16xf32> to vector<16xf32>
      tpu.vector_store %arg9[%swap3A_324], %swap3A_327 {strides = array<i32>} : memref<8192xf32, #tpu.memory_space<vmem>>, vector<16xf32>,
      %slice3A_328 = vector.extract_strided_slice %get3A_199 {offsets = [10], sizes = [1], strides = [1]} : vector<16xf32> to vector<1xf32>
      %squeeze3A_329 = vector.extract %slice3A_328[0] : f32 from vector<1xf32>
      %broadcast_in_dim3A_330 = vector.broadcast %squeeze3A_329 : f32 to vector<16xf32>
      %mul3A_331 = arith.constant 16 : i32
      %mul3A_332 = arith.muli %scan3A_195, %mul3A_331 : i32
      %add3A_333 = arith.constant 10 : i32
      %add3A_334 = arith.addi %mul3A_332, %add3A_333 : i32
      %mul3A_335 = arith.constant 16 : i32
      %mul3A_336 = arith.muli %add3A_334, %mul3A_335 : i32
      %swap3A_337 = arith.index_cast %mul3A_336 : i32 to index
      %swap3A_338 = tpu.vector_load %arg9[%swap3A_337] {strides = array<i32>} : memref<8192xf32, #tpu.memory_space<vmem>>, vector<16xf32>,
      %swap3A_339 = vector.shape_cast %swap3A_338 : vector<16xf32> to vector<16xf32>
      %swap3A_340 = vector.shape_cast %broadcast_in_dim3A_330 : vector<16xf32> to vector<16xf32>
      tpu.vector_store %arg9[%swap3A_337], %swap3A_340 {strides = array<i32>} : memref<8192xf32, #tpu.memory_space<vmem>>, vector<16xf32>,
      %slice3A_341 = vector.extract_strided_slice %get3A_199 {offsets = [11], sizes = [1], strides = [1]} : vector<16xf32> to vector<1xf32>
      %squeeze3A_342 = vector.extract %slice3A_341[0] : f32 from vector<1xf32>
      %broadcast_in_dim3A_343 = vector.broadcast %squeeze3A_342 : f32 to vector<16xf32>
      %mul3A_344 = arith.constant 16 : i32
      %mul3A_345 = arith.muli %scan3A_195, %mul3A_344 : i32
      %add3A_346 = arith.constant 11 : i32
      %add3A_347 = arith.addi %mul3A_345, %add3A_346 : i32
      %mul3A_348 = arith.constant 16 : i32
      %mul3A_349 = arith.muli %add3A_347, %mul3A_348 : i32
      %swap3A_350 = arith.index_cast %mul3A_349 : i32 to index
      %swap3A_351 = tpu.vector_load %arg9[%swap3A_350] {strides = array<i32>} : memref<8192xf32, #tpu.memory_space<vmem>>, vector<16xf32>,
      %swap3A_352 = vector.shape_cast %swap3A_351 : vector<16xf32> to vector<16xf32>
      %swap3A_353 = vector.shape_cast %broadcast_in_dim3A_343 : vector<16xf32> to vector<16xf32>
      tpu.vector_store %arg9[%swap3A_350], %swap3A_353 {strides = array<i32>} : memref<8192xf32, #tpu.memory_space<vmem>>, vector<16xf32>,
      %slice3A_354 = vector.extract_strided_slice %get3A_199 {offsets = [12], sizes = [1], strides = [1]} : vector<16xf32> to vector<1xf32>
      %squeeze3A_355 = vector.extract %slice3A_354[0] : f32 from vector<1xf32>
      %broadcast_in_dim3A_356 = vector.broadcast %squeeze3A_355 : f32 to vector<16xf32>
      %mul3A_357 = arith.constant 16 : i32
      %mul3A_358 = arith.muli %scan3A_195, %mul3A_357 : i32
      %add3A_359 = arith.constant 12 : i32
      %add3A_360 = arith.addi %mul3A_358, %add3A_359 : i32
      %mul3A_361 = arith.constant 16 : i32
      %mul3A_362 = arith.muli %add3A_360, %mul3A_361 : i32
      %swap3A_363 = arith.index_cast %mul3A_362 : i32 to index
      %swap3A_364 = tpu.vector_load %arg9[%swap3A_363] {strides = array<i32>} : memref<8192xf32, #tpu.memory_space<vmem>>, vector<16xf32>,
      %swap3A_365 = vector.shape_cast %swap3A_364 : vector<16xf32> to vector<16xf32>
      %swap3A_366 = vector.shape_cast %broadcast_in_dim3A_356 : vector<16xf32> to vector<16xf32>
      tpu.vector_store %arg9[%swap3A_363], %swap3A_366 {strides = array<i32>} : memref<8192xf32, #tpu.memory_space<vmem>>, vector<16xf32>,
      %slice3A_367 = vector.extract_strided_slice %get3A_199 {offsets = [13], sizes = [1], strides = [1]} : vector<16xf32> to vector<1xf32>
      %squeeze3A_368 = vector.extract %slice3A_367[0] : f32 from vector<1xf32>
      %broadcast_in_dim3A_369 = vector.broadcast %squeeze3A_368 : f32 to vector<16xf32>
      %mul3A_370 = arith.constant 16 : i32
      %mul3A_371 = arith.muli %scan3A_195, %mul3A_370 : i32
      %add3A_372 = arith.constant 13 : i32
      %add3A_373 = arith.addi %mul3A_371, %add3A_372 : i32
      %mul3A_374 = arith.constant 16 : i32
      %mul3A_375 = arith.muli %add3A_373, %mul3A_374 : i32
      %swap3A_376 = arith.index_cast %mul3A_375 : i32 to index
      %swap3A_377 = tpu.vector_load %arg9[%swap3A_376] {strides = array<i32>} : memref<8192xf32, #tpu.memory_space<vmem>>, vector<16xf32>,
      %swap3A_378 = vector.shape_cast %swap3A_377 : vector<16xf32> to vector<16xf32>
      %swap3A_379 = vector.shape_cast %broadcast_in_dim3A_369 : vector<16xf32> to vector<16xf32>
      tpu.vector_store %arg9[%swap3A_376], %swap3A_379 {strides = array<i32>} : memref<8192xf32, #tpu.memory_space<vmem>>, vector<16xf32>,
      %slice3A_380 = vector.extract_strided_slice %get3A_199 {offsets = [14], sizes = [1], strides = [1]} : vector<16xf32> to vector<1xf32>
      %squeeze3A_381 = vector.extract %slice3A_380[0] : f32 from vector<1xf32>
      %broadcast_in_dim3A_382 = vector.broadcast %squeeze3A_381 : f32 to vector<16xf32>
      %mul3A_383 = arith.constant 16 : i32
      %mul3A_384 = arith.muli %scan3A_195, %mul3A_383 : i32
      %add3A_385 = arith.constant 14 : i32
      %add3A_386 = arith.addi %mul3A_384, %add3A_385 : i32
      %mul3A_387 = arith.constant 16 : i32
      %mul3A_388 = arith.muli %add3A_386, %mul3A_387 : i32
      %swap3A_389 = arith.index_cast %mul3A_388 : i32 to index
      %swap3A_390 = tpu.vector_load %arg9[%swap3A_389] {strides = array<i32>} : memref<8192xf32, #tpu.memory_space<vmem>>, vector<16xf32>,
      %swap3A_391 = vector.shape_cast %swap3A_390 : vector<16xf32> to vector<16xf32>
      %swap3A_392 = vector.shape_cast %broadcast_in_dim3A_382 : vector<16xf32> to vector<16xf32>
      tpu.vector_store %arg9[%swap3A_389], %swap3A_392 {strides = array<i32>} : memref<8192xf32, #tpu.memory_space<vmem>>, vector<16xf32>,
      %slice3A_393 = vector.extract_strided_slice %get3A_199 {offsets = [15], sizes = [1], strides = [1]} : vector<16xf32> to vector<1xf32>
      %squeeze3A_394 = vector.extract %slice3A_393[0] : f32 from vector<1xf32>
      %broadcast_in_dim3A_395 = vector.broadcast %squeeze3A_394 : f32 to vector<16xf32>
      %mul3A_396 = arith.constant 16 : i32
      %mul3A_397 = arith.muli %scan3A_195, %mul3A_396 : i32
      %add3A_398 = arith.constant 15 : i32
      %add3A_399 = arith.addi %mul3A_397, %add3A_398 : i32
      %mul3A_400 = arith.constant 16 : i32
      %mul3A_401 = arith.muli %add3A_399, %mul3A_400 : i32
      %swap3A_402 = arith.index_cast %mul3A_401 : i32 to index
      %swap3A_403 = tpu.vector_load %arg9[%swap3A_402] {strides = array<i32>} : memref<8192xf32, #tpu.memory_space<vmem>>, vector<16xf32>,
      %swap3A_404 = vector.shape_cast %swap3A_403 : vector<16xf32> to vector<16xf32>
      %swap3A_405 = vector.shape_cast %broadcast_in_dim3A_395 : vector<16xf32> to vector<16xf32>
      tpu.vector_store %arg9[%swap3A_402], %swap3A_405 {strides = array<i32>} : memref<8192xf32, #tpu.memory_space<vmem>>, vector<16xf32>,
    }
    %scan3A_97 = arith.constant 32 : i32
    %broadcast_in_dim3A = arith.constant 0.000000e+00 : f32
    %broadcast_in_dim3A_98 = vector.broadcast %broadcast_in_dim3A : f32 to vector<16xf32>
    %broadcast_in_dim3A_99 = arith.constant 0.000000e+00 : f32
    %broadcast_in_dim3A_100 = vector.broadcast %broadcast_in_dim3A_99 : f32 to vector<16xf32>
    %broadcast_in_dim3A_101 = arith.constant 0.000000e+00 : f32
    %broadcast_in_dim3A_102 = vector.broadcast %broadcast_in_dim3A_101 : f32 to vector<16xf32>
    %broadcast_in_dim3A_103 = arith.constant 0.000000e+00 : f32
    %broadcast_in_dim3A_104 = vector.broadcast %broadcast_in_dim3A_103 : f32 to vector<16xf32>
    %dma_wait3A_105 = arith.constant 0 : i32
    %dma_wait3A_106 = arith.constant 0 : i32
    %dma_wait3A_107 = tpu.memref_slice %arg10[%dma_wait3A_105, %dma_wait3A_106] : memref<512x128xf32, #tpu.memory_space<vmem>> -> memref<128x128xf32, #tpu.memory_space<vmem>>
    %dma_wait3A_108 = arith.constant 0 : i32
    %dma_wait3A_109 = tpu.memref_slice %arg7[%dma_wait3A_108] : memref<512xi32, #tpu.memory_space<vmem>> -> memref<128xi32, #tpu.memory_space<vmem>>
    %dma_wait3A_110 = arith.constant 0 : i32
    %dma_wait3A_111 = arith.constant 0 : i32
    %dma_wait3A_112 = tpu.memref_slice %arg4[%dma_wait3A_110, %dma_wait3A_111] : memref<1000x128xf32, #tpu.memory_space<hbm>> -> memref<1000x128xf32, #tpu.memory_space<hbm>>
    tpu.wait_indirect_dma semaphore(%arg15 : memref<!tpu.dma_semaphore, #tpu.memory_space<semaphore_mem>>) src(%dma_wait3A_112 : memref<1000x128xf32, #tpu.memory_space<hbm>>) dst(%dma_wait3A_107 : memref<128x128xf32, #tpu.memory_space<vmem>>)
    %dma_wait3A_113 = arith.constant 0 : i32
    %dma_wait3A_114 = tpu.memref_slice %arg2[%add3A_4, %dma_wait3A_113] : memref<16384x128xf32, #tpu.memory_space<hbm>> -> memref<128x128xf32, #tpu.memory_space<hbm>>
    %dma_wait3A_115 = arith.constant 0 : i32
    %dma_wait3A_116 = tpu.memref_slice %arg2[%add3A_4, %dma_wait3A_115] : memref<16384x128xf32, #tpu.memory_space<hbm>> -> memref<128x128xf32, #tpu.memory_space<hbm>>
    tpu.wait_dma2 semaphore(%arg19 : memref<!tpu.dma_semaphore, #tpu.memory_space<semaphore_mem>>) src(%dma_wait3A_116 : memref<128x128xf32, #tpu.memory_space<hbm>>) dst(%arg11 : memref<128x128xf32, #tpu.memory_space<vmem>>)
    %scan3A_117 = arith.constant 0 : i32
    %scan3A_118 = arith.constant 128 : i32
    %scan3A_119 = arith.addi %scan3A_117, %scan3A_118 : i32
    %scan3A_120 = arith.constant 2 : i32
    %scan3A_121:4 = scf.for %scan3A_195 = %scan3A_117 to %scan3A_119 step %scan3A_120 iter_args(%scan3A_196 = %broadcast_in_dim3A_98, %scan3A_197 = %broadcast_in_dim3A_100, %scan3A_198 = %broadcast_in_dim3A_102, %scan3A_199 = %broadcast_in_dim3A_104) -> (vector<16xf32>, vector<16xf32>, vector<16xf32>, vector<16xf32>)  : i32 {
      %add3A_200 = arith.constant 0 : i32
      %add3A_201 = arith.addi %add3A_200, %scan3A_195 : i32
      %mul3A_202 = arith.constant 16 : i32
      %mul3A_203 = arith.muli %add3A_201, %mul3A_202 : i32
      %get3A = arith.index_cast %mul3A_203 : i32 to index
      %get3A_204 = tpu.vector_load %arg9[%get3A] {strides = array<i32>} : memref<8192xf32, #tpu.memory_space<vmem>>, vector<16xf32>,
      %get3A_205 = vector.shape_cast %get3A_204 : vector<16xf32> to vector<16xf32>
      %get3A_206 = arith.index_cast %scan3A_195 : i32 to index
      %get3A_207 = arith.constant 0 : index
      %get3A_208 = tpu.vector_load %arg11[%get3A_206, %get3A_207] {strides = array<i32>} : memref<128x128xf32, #tpu.memory_space<vmem>>, vector<1x16xf32>,
      %get3A_209 = vector.shape_cast %get3A_208 : vector<1x16xf32> to vector<16xf32>
      %add3A_210 = arith.constant 0 : i32
      %add3A_211 = arith.addi %add3A_210, %scan3A_195 : i32
      %get3A_212 = arith.index_cast %add3A_211 : i32 to index
      %get3A_213 = arith.constant 0 : index
      %get3A_214 = tpu.vector_load %arg10[%get3A_212, %get3A_213] {strides = array<i32>} : memref<512x128xf32, #tpu.memory_space<vmem>>, vector<1x16xf32>,
      %get3A_215 = vector.shape_cast %get3A_214 : vector<1x16xf32> to vector<16xf32>
      %sub3A = arith.subf %get3A_209, %get3A_215 : vector<16xf32>
      %mul3A_216 = arith.mulf %get3A_205, %sub3A : vector<16xf32>
      %mul3A_217 = arith.mulf %mul3A_216, %sub3A : vector<16xf32>
      %add3A_218 = arith.addf %scan3A_196, %mul3A_217 : vector<16xf32>
      %get3A_219 = arith.index_cast %scan3A_195 : i32 to index
      %get3A_220 = arith.constant 16 : index
      %get3A_221 = tpu.vector_load %arg11[%get3A_219, %get3A_220] {strides = array<i32>} : memref<128x128xf32, #tpu.memory_space<vmem>>, vector<1x16xf32>,
      %get3A_222 = vector.shape_cast %get3A_221 : vector<1x16xf32> to vector<16xf32>
      %add3A_223 = arith.constant 0 : i32
      %add3A_224 = arith.addi %add3A_223, %scan3A_195 : i32
      %get3A_225 = arith.index_cast %add3A_224 : i32 to index
      %get3A_226 = arith.constant 16 : index
      %get3A_227 = tpu.vector_load %arg10[%get3A_225, %get3A_226] {strides = array<i32>} : memref<512x128xf32, #tpu.memory_space<vmem>>, vector<1x16xf32>,
      %get3A_228 = vector.shape_cast %get3A_227 : vector<1x16xf32> to vector<16xf32>
      %sub3A_229 = arith.subf %get3A_222, %get3A_228 : vector<16xf32>
      %mul3A_230 = arith.mulf %get3A_205, %sub3A_229 : vector<16xf32>
      %mul3A_231 = arith.mulf %mul3A_230, %sub3A_229 : vector<16xf32>
      %add3A_232 = arith.addf %scan3A_197, %mul3A_231 : vector<16xf32>
      %get3A_233 = arith.index_cast %scan3A_195 : i32 to index
      %get3A_234 = arith.constant 32 : index
      %get3A_235 = tpu.vector_load %arg11[%get3A_233, %get3A_234] {strides = array<i32>} : memref<128x128xf32, #tpu.memory_space<vmem>>, vector<1x16xf32>,
      %get3A_236 = vector.shape_cast %get3A_235 : vector<1x16xf32> to vector<16xf32>
      %add3A_237 = arith.constant 0 : i32
      %add3A_238 = arith.addi %add3A_237, %scan3A_195 : i32
      %get3A_239 = arith.index_cast %add3A_238 : i32 to index
      %get3A_240 = arith.constant 32 : index
      %get3A_241 = tpu.vector_load %arg10[%get3A_239, %get3A_240] {strides = array<i32>} : memref<512x128xf32, #tpu.memory_space<vmem>>, vector<1x16xf32>,
      %get3A_242 = vector.shape_cast %get3A_241 : vector<1x16xf32> to vector<16xf32>
      %sub3A_243 = arith.subf %get3A_236, %get3A_242 : vector<16xf32>
      %mul3A_244 = arith.mulf %get3A_205, %sub3A_243 : vector<16xf32>
      %mul3A_245 = arith.mulf %mul3A_244, %sub3A_243 : vector<16xf32>
      %add3A_246 = arith.addf %scan3A_198, %mul3A_245 : vector<16xf32>
      %get3A_247 = arith.index_cast %scan3A_195 : i32 to index
      %get3A_248 = arith.constant 48 : index
      %get3A_249 = tpu.vector_load %arg11[%get3A_247, %get3A_248] {strides = array<i32>} : memref<128x128xf32, #tpu.memory_space<vmem>>, vector<1x16xf32>,
      %get3A_250 = vector.shape_cast %get3A_249 : vector<1x16xf32> to vector<16xf32>
      %add3A_251 = arith.constant 0 : i32
      %add3A_252 = arith.addi %add3A_251, %scan3A_195 : i32
      %get3A_253 = arith.index_cast %add3A_252 : i32 to index
      %get3A_254 = arith.constant 48 : index
      %get3A_255 = tpu.vector_load %arg10[%get3A_253, %get3A_254] {strides = array<i32>} : memref<512x128xf32, #tpu.memory_space<vmem>>, vector<1x16xf32>,
      %get3A_256 = vector.shape_cast %get3A_255 : vector<1x16xf32> to vector<16xf32>
      %sub3A_257 = arith.subf %get3A_250, %get3A_256 : vector<16xf32>
      %mul3A_258 = arith.mulf %get3A_205, %sub3A_257 : vector<16xf32>
      %mul3A_259 = arith.mulf %mul3A_258, %sub3A_257 : vector<16xf32>
      %add3A_260 = arith.addf %scan3A_199, %mul3A_259 : vector<16xf32>
      %get3A_261 = arith.index_cast %scan3A_195 : i32 to index
      %get3A_262 = arith.constant 64 : index
      %get3A_263 = tpu.vector_load %arg11[%get3A_261, %get3A_262] {strides = array<i32>} : memref<128x128xf32, #tpu.memory_space<vmem>>, vector<1x16xf32>,
      %get3A_264 = vector.shape_cast %get3A_263 : vector<1x16xf32> to vector<16xf32>
      %add3A_265 = arith.constant 0 : i32
      %add3A_266 = arith.addi %add3A_265, %scan3A_195 : i32
      %get3A_267 = arith.index_cast %add3A_266 : i32 to index
      %get3A_268 = arith.constant 64 : index
      %get3A_269 = tpu.vector_load %arg10[%get3A_267, %get3A_268] {strides = array<i32>} : memref<512x128xf32, #tpu.memory_space<vmem>>, vector<1x16xf32>,
      %get3A_270 = vector.shape_cast %get3A_269 : vector<1x16xf32> to vector<16xf32>
      %sub3A_271 = arith.subf %get3A_264, %get3A_270 : vector<16xf32>
      %mul3A_272 = arith.mulf %get3A_205, %sub3A_271 : vector<16xf32>
      %mul3A_273 = arith.mulf %mul3A_272, %sub3A_271 : vector<16xf32>
      %add3A_274 = arith.addf %add3A_218, %mul3A_273 : vector<16xf32>
      %get3A_275 = arith.index_cast %scan3A_195 : i32 to index
      %get3A_276 = arith.constant 80 : index
      %get3A_277 = tpu.vector_load %arg11[%get3A_275, %get3A_276] {strides = array<i32>} : memref<128x128xf32, #tpu.memory_space<vmem>>, vector<1x16xf32>,
      %get3A_278 = vector.shape_cast %get3A_277 : vector<1x16xf32> to vector<16xf32>
      %add3A_279 = arith.constant 0 : i32
      %add3A_280 = arith.addi %add3A_279, %scan3A_195 : i32
      %get3A_281 = arith.index_cast %add3A_280 : i32 to index
      %get3A_282 = arith.constant 80 : index
      %get3A_283 = tpu.vector_load %arg10[%get3A_281, %get3A_282] {strides = array<i32>} : memref<512x128xf32, #tpu.memory_space<vmem>>, vector<1x16xf32>,
      %get3A_284 = vector.shape_cast %get3A_283 : vector<1x16xf32> to vector<16xf32>
      %sub3A_285 = arith.subf %get3A_278, %get3A_284 : vector<16xf32>
      %mul3A_286 = arith.mulf %get3A_205, %sub3A_285 : vector<16xf32>
      %mul3A_287 = arith.mulf %mul3A_286, %sub3A_285 : vector<16xf32>
      %add3A_288 = arith.addf %add3A_232, %mul3A_287 : vector<16xf32>
      %get3A_289 = arith.index_cast %scan3A_195 : i32 to index
      %get3A_290 = arith.constant 96 : index
      %get3A_291 = tpu.vector_load %arg11[%get3A_289, %get3A_290] {strides = array<i32>} : memref<128x128xf32, #tpu.memory_space<vmem>>, vector<1x16xf32>,
      %get3A_292 = vector.shape_cast %get3A_291 : vector<1x16xf32> to vector<16xf32>
      %add3A_293 = arith.constant 0 : i32
      %add3A_294 = arith.addi %add3A_293, %scan3A_195 : i32
      %get3A_295 = arith.index_cast %add3A_294 : i32 to index
      %get3A_296 = arith.constant 96 : index
      %get3A_297 = tpu.vector_load %arg10[%get3A_295, %get3A_296] {strides = array<i32>} : memref<512x128xf32, #tpu.memory_space<vmem>>, vector<1x16xf32>,
      %get3A_298 = vector.shape_cast %get3A_297 : vector<1x16xf32> to vector<16xf32>
      %sub3A_299 = arith.subf %get3A_292, %get3A_298 : vector<16xf32>
      %mul3A_300 = arith.mulf %get3A_205, %sub3A_299 : vector<16xf32>
      %mul3A_301 = arith.mulf %mul3A_300, %sub3A_299 : vector<16xf32>
      %add3A_302 = arith.addf %add3A_246, %mul3A_301 : vector<16xf32>
      %get3A_303 = arith.index_cast %scan3A_195 : i32 to index
      %get3A_304 = arith.constant 112 : index
      %get3A_305 = tpu.vector_load %arg11[%get3A_303, %get3A_304] {strides = array<i32>} : memref<128x128xf32, #tpu.memory_space<vmem>>, vector<1x16xf32>,
      %get3A_306 = vector.shape_cast %get3A_305 : vector<1x16xf32> to vector<16xf32>
      %add3A_307 = arith.constant 0 : i32
      %add3A_308 = arith.addi %add3A_307, %scan3A_195 : i32
      %get3A_309 = arith.index_cast %add3A_308 : i32 to index
      %get3A_310 = arith.constant 112 : index
      %get3A_311 = tpu.vector_load %arg10[%get3A_309, %get3A_310] {strides = array<i32>} : memref<512x128xf32, #tpu.memory_space<vmem>>, vector<1x16xf32>,
      %get3A_312 = vector.shape_cast %get3A_311 : vector<1x16xf32> to vector<16xf32>
      %sub3A_313 = arith.subf %get3A_306, %get3A_312 : vector<16xf32>
      %mul3A_314 = arith.mulf %get3A_205, %sub3A_313 : vector<16xf32>
      %mul3A_315 = arith.mulf %mul3A_314, %sub3A_313 : vector<16xf32>
      %add3A_316 = arith.addf %add3A_260, %mul3A_315 : vector<16xf32>
      %scan3A_317 = arith.constant 1 : i32
      %scan3A_318 = arith.addi %scan3A_195, %scan3A_317 : i32
      %add3A_319 = arith.constant 0 : i32
      %add3A_320 = arith.addi %add3A_319, %scan3A_318 : i32
      %mul3A_321 = arith.constant 16 : i32
      %mul3A_322 = arith.muli %add3A_320, %mul3A_321 : i32
      %get3A_323 = arith.index_cast %mul3A_322 : i32 to index
      %get3A_324 = tpu.vector_load %arg9[%get3A_323] {strides = array<i32>} : memref<8192xf32, #tpu.memory_space<vmem>>, vector<16xf32>,
      %get3A_325 = vector.shape_cast %get3A_324 : vector<16xf32> to vector<16xf32>
      %get3A_326 = arith.index_cast %scan3A_318 : i32 to index
      %get3A_327 = arith.constant 0 : index
      %get3A_328 = tpu.vector_load %arg11[%get3A_326, %get3A_327] {strides = array<i32>} : memref<128x128xf32, #tpu.memory_space<vmem>>, vector<1x16xf32>,
      %get3A_329 = vector.shape_cast %get3A_328 : vector<1x16xf32> to vector<16xf32>
      %add3A_330 = arith.constant 0 : i32
      %add3A_331 = arith.addi %add3A_330, %scan3A_318 : i32
      %get3A_332 = arith.index_cast %add3A_331 : i32 to index
      %get3A_333 = arith.constant 0 : index
      %get3A_334 = tpu.vector_load %arg10[%get3A_332, %get3A_333] {strides = array<i32>} : memref<512x128xf32, #tpu.memory_space<vmem>>, vector<1x16xf32>,
      %get3A_335 = vector.shape_cast %get3A_334 : vector<1x16xf32> to vector<16xf32>
      %sub3A_336 = arith.subf %get3A_329, %get3A_335 : vector<16xf32>
      %mul3A_337 = arith.mulf %get3A_325, %sub3A_336 : vector<16xf32>
      %mul3A_338 = arith.mulf %mul3A_337, %sub3A_336 : vector<16xf32>
      %add3A_339 = arith.addf %add3A_274, %mul3A_338 : vector<16xf32>
      %get3A_340 = arith.index_cast %scan3A_318 : i32 to index
      %get3A_341 = arith.constant 16 : index
      %get3A_342 = tpu.vector_load %arg11[%get3A_340, %get3A_341] {strides = array<i32>} : memref<128x128xf32, #tpu.memory_space<vmem>>, vector<1x16xf32>,
      %get3A_343 = vector.shape_cast %get3A_342 : vector<1x16xf32> to vector<16xf32>
      %add3A_344 = arith.constant 0 : i32
      %add3A_345 = arith.addi %add3A_344, %scan3A_318 : i32
      %get3A_346 = arith.index_cast %add3A_345 : i32 to index
      %get3A_347 = arith.constant 16 : index
      %get3A_348 = tpu.vector_load %arg10[%get3A_346, %get3A_347] {strides = array<i32>} : memref<512x128xf32, #tpu.memory_space<vmem>>, vector<1x16xf32>,
      %get3A_349 = vector.shape_cast %get3A_348 : vector<1x16xf32> to vector<16xf32>
      %sub3A_350 = arith.subf %get3A_343, %get3A_349 : vector<16xf32>
      %mul3A_351 = arith.mulf %get3A_325, %sub3A_350 : vector<16xf32>
      %mul3A_352 = arith.mulf %mul3A_351, %sub3A_350 : vector<16xf32>
      %add3A_353 = arith.addf %add3A_288, %mul3A_352 : vector<16xf32>
      %get3A_354 = arith.index_cast %scan3A_318 : i32 to index
      %get3A_355 = arith.constant 32 : index
      %get3A_356 = tpu.vector_load %arg11[%get3A_354, %get3A_355] {strides = array<i32>} : memref<128x128xf32, #tpu.memory_space<vmem>>, vector<1x16xf32>,
      %get3A_357 = vector.shape_cast %get3A_356 : vector<1x16xf32> to vector<16xf32>
      %add3A_358 = arith.constant 0 : i32
      %add3A_359 = arith.addi %add3A_358, %scan3A_318 : i32
      %get3A_360 = arith.index_cast %add3A_359 : i32 to index
      %get3A_361 = arith.constant 32 : index
      %get3A_362 = tpu.vector_load %arg10[%get3A_360, %get3A_361] {strides = array<i32>} : memref<512x128xf32, #tpu.memory_space<vmem>>, vector<1x16xf32>,
      %get3A_363 = vector.shape_cast %get3A_362 : vector<1x16xf32> to vector<16xf32>
      %sub3A_364 = arith.subf %get3A_357, %get3A_363 : vector<16xf32>
      %mul3A_365 = arith.mulf %get3A_325, %sub3A_364 : vector<16xf32>
      %mul3A_366 = arith.mulf %mul3A_365, %sub3A_364 : vector<16xf32>
      %add3A_367 = arith.addf %add3A_302, %mul3A_366 : vector<16xf32>
      %get3A_368 = arith.index_cast %scan3A_318 : i32 to index
      %get3A_369 = arith.constant 48 : index
      %get3A_370 = tpu.vector_load %arg11[%get3A_368, %get3A_369] {strides = array<i32>} : memref<128x128xf32, #tpu.memory_space<vmem>>, vector<1x16xf32>,
      %get3A_371 = vector.shape_cast %get3A_370 : vector<1x16xf32> to vector<16xf32>
      %add3A_372 = arith.constant 0 : i32
      %add3A_373 = arith.addi %add3A_372, %scan3A_318 : i32
      %get3A_374 = arith.index_cast %add3A_373 : i32 to index
      %get3A_375 = arith.constant 48 : index
      %get3A_376 = tpu.vector_load %arg10[%get3A_374, %get3A_375] {strides = array<i32>} : memref<512x128xf32, #tpu.memory_space<vmem>>, vector<1x16xf32>,
      %get3A_377 = vector.shape_cast %get3A_376 : vector<1x16xf32> to vector<16xf32>
      %sub3A_378 = arith.subf %get3A_371, %get3A_377 : vector<16xf32>
      %mul3A_379 = arith.mulf %get3A_325, %sub3A_378 : vector<16xf32>
      %mul3A_380 = arith.mulf %mul3A_379, %sub3A_378 : vector<16xf32>
      %add3A_381 = arith.addf %add3A_316, %mul3A_380 : vector<16xf32>
      %get3A_382 = arith.index_cast %scan3A_318 : i32 to index
      %get3A_383 = arith.constant 64 : index
      %get3A_384 = tpu.vector_load %arg11[%get3A_382, %get3A_383] {strides = array<i32>} : memref<128x128xf32, #tpu.memory_space<vmem>>, vector<1x16xf32>,
      %get3A_385 = vector.shape_cast %get3A_384 : vector<1x16xf32> to vector<16xf32>
      %add3A_386 = arith.constant 0 : i32
      %add3A_387 = arith.addi %add3A_386, %scan3A_318 : i32
      %get3A_388 = arith.index_cast %add3A_387 : i32 to index
      %get3A_389 = arith.constant 64 : index
      %get3A_390 = tpu.vector_load %arg10[%get3A_388, %get3A_389] {strides = array<i32>} : memref<512x128xf32, #tpu.memory_space<vmem>>, vector<1x16xf32>,
      %get3A_391 = vector.shape_cast %get3A_390 : vector<1x16xf32> to vector<16xf32>
      %sub3A_392 = arith.subf %get3A_385, %get3A_391 : vector<16xf32>
      %mul3A_393 = arith.mulf %get3A_325, %sub3A_392 : vector<16xf32>
      %mul3A_394 = arith.mulf %mul3A_393, %sub3A_392 : vector<16xf32>
      %add3A_395 = arith.addf %add3A_339, %mul3A_394 : vector<16xf32>
      %get3A_396 = arith.index_cast %scan3A_318 : i32 to index
      %get3A_397 = arith.constant 80 : index
      %get3A_398 = tpu.vector_load %arg11[%get3A_396, %get3A_397] {strides = array<i32>} : memref<128x128xf32, #tpu.memory_space<vmem>>, vector<1x16xf32>,
      %get3A_399 = vector.shape_cast %get3A_398 : vector<1x16xf32> to vector<16xf32>
      %add3A_400 = arith.constant 0 : i32
      %add3A_401 = arith.addi %add3A_400, %scan3A_318 : i32
      %get3A_402 = arith.index_cast %add3A_401 : i32 to index
      %get3A_403 = arith.constant 80 : index
      %get3A_404 = tpu.vector_load %arg10[%get3A_402, %get3A_403] {strides = array<i32>} : memref<512x128xf32, #tpu.memory_space<vmem>>, vector<1x16xf32>,
      %get3A_405 = vector.shape_cast %get3A_404 : vector<1x16xf32> to vector<16xf32>
      %sub3A_406 = arith.subf %get3A_399, %get3A_405 : vector<16xf32>
      %mul3A_407 = arith.mulf %get3A_325, %sub3A_406 : vector<16xf32>
      %mul3A_408 = arith.mulf %mul3A_407, %sub3A_406 : vector<16xf32>
      %add3A_409 = arith.addf %add3A_353, %mul3A_408 : vector<16xf32>
      %get3A_410 = arith.index_cast %scan3A_318 : i32 to index
      %get3A_411 = arith.constant 96 : index
      %get3A_412 = tpu.vector_load %arg11[%get3A_410, %get3A_411] {strides = array<i32>} : memref<128x128xf32, #tpu.memory_space<vmem>>, vector<1x16xf32>,
      %get3A_413 = vector.shape_cast %get3A_412 : vector<1x16xf32> to vector<16xf32>
      %add3A_414 = arith.constant 0 : i32
      %add3A_415 = arith.addi %add3A_414, %scan3A_318 : i32
      %get3A_416 = arith.index_cast %add3A_415 : i32 to index
      %get3A_417 = arith.constant 96 : index
      %get3A_418 = tpu.vector_load %arg10[%get3A_416, %get3A_417] {strides = array<i32>} : memref<512x128xf32, #tpu.memory_space<vmem>>, vector<1x16xf32>,
      %get3A_419 = vector.shape_cast %get3A_418 : vector<1x16xf32> to vector<16xf32>
      %sub3A_420 = arith.subf %get3A_413, %get3A_419 : vector<16xf32>
      %mul3A_421 = arith.mulf %get3A_325, %sub3A_420 : vector<16xf32>
      %mul3A_422 = arith.mulf %mul3A_421, %sub3A_420 : vector<16xf32>
      %add3A_423 = arith.addf %add3A_367, %mul3A_422 : vector<16xf32>
      %get3A_424 = arith.index_cast %scan3A_318 : i32 to index
      %get3A_425 = arith.constant 112 : index
      %get3A_426 = tpu.vector_load %arg11[%get3A_424, %get3A_425] {strides = array<i32>} : memref<128x128xf32, #tpu.memory_space<vmem>>, vector<1x16xf32>,
      %get3A_427 = vector.shape_cast %get3A_426 : vector<1x16xf32> to vector<16xf32>
      %add3A_428 = arith.constant 0 : i32
      %add3A_429 = arith.addi %add3A_428, %scan3A_318 : i32
      %get3A_430 = arith.index_cast %add3A_429 : i32 to index
      %get3A_431 = arith.constant 112 : index
      %get3A_432 = tpu.vector_load %arg10[%get3A_430, %get3A_431] {strides = array<i32>} : memref<512x128xf32, #tpu.memory_space<vmem>>, vector<1x16xf32>,
      %get3A_433 = vector.shape_cast %get3A_432 : vector<1x16xf32> to vector<16xf32>
      %sub3A_434 = arith.subf %get3A_427, %get3A_433 : vector<16xf32>
      %mul3A_435 = arith.mulf %get3A_325, %sub3A_434 : vector<16xf32>
      %mul3A_436 = arith.mulf %mul3A_435, %sub3A_434 : vector<16xf32>
      %add3A_437 = arith.addf %add3A_381, %mul3A_436 : vector<16xf32>
      scf.yield %add3A_395, %add3A_409, %add3A_423, %add3A_437 : vector<16xf32>, vector<16xf32>, vector<16xf32>, vector<16xf32>
    }
    %scan3A_122 = arith.constant 128 : i32
    %add3A_123 = arith.constant 256 : i32
    %add3A_124 = arith.addi %mul3A_2, %add3A_123 : i32
    %dma_start3A_125 = arith.constant 0 : i32
    %dma_start3A_126 = tpu.memref_slice %arg2[%add3A_124, %dma_start3A_125] : memref<16384x128xf32, #tpu.memory_space<hbm>> -> memref<128x128xf32, #tpu.memory_space<hbm>>
    %dma_start3A_127 = arith.constant 0 : i32
    %dma_start3A_128 = tpu.memref_slice %arg2[%add3A_124, %dma_start3A_127] : memref<16384x128xf32, #tpu.memory_space<hbm>> -> memref<128x128xf32, #tpu.memory_space<hbm>>
    tpu.enqueue_dma source(%dma_start3A_128 : memref<128x128xf32, #tpu.memory_space<hbm>>) target(%arg11 : memref<128x128xf32, #tpu.memory_space<vmem>>) target_semaphore(%arg19 : memref<!tpu.dma_semaphore, #tpu.memory_space<semaphore_mem>>)
    %dma_wait3A_129 = arith.constant 128 : i32
    %dma_wait3A_130 = arith.constant 0 : i32
    %dma_wait3A_131 = tpu.memref_slice %arg10[%dma_wait3A_129, %dma_wait3A_130] : memref<512x128xf32, #tpu.memory_space<vmem>> -> memref<128x128xf32, #tpu.memory_space<vmem>>
    %dma_wait3A_132 = arith.constant 128 : i32
    %dma_wait3A_133 = tpu.memref_slice %arg7[%dma_wait3A_132] : memref<512xi32, #tpu.memory_space<vmem>> -> memref<128xi32, #tpu.memory_space<vmem>>
    %dma_wait3A_134 = arith.constant 0 : i32
    %dma_wait3A_135 = arith.constant 0 : i32
    %dma_wait3A_136 = tpu.memref_slice %arg4[%dma_wait3A_134, %dma_wait3A_135] : memref<1000x128xf32, #tpu.memory_space<hbm>> -> memref<1000x128xf32, #tpu.memory_space<hbm>>
    tpu.wait_indirect_dma semaphore(%arg16 : memref<!tpu.dma_semaphore, #tpu.memory_space<semaphore_mem>>) src(%dma_wait3A_136 : memref<1000x128xf32, #tpu.memory_space<hbm>>) dst(%dma_wait3A_131 : memref<128x128xf32, #tpu.memory_space<vmem>>)
    %dma_wait3A_137 = arith.constant 0 : i32
    %dma_wait3A_138 = tpu.memref_slice %arg2[%add3A_9, %dma_wait3A_137] : memref<16384x128xf32, #tpu.memory_space<hbm>> -> memref<128x128xf32, #tpu.memory_space<hbm>>
    %dma_wait3A_139 = arith.constant 0 : i32
    %dma_wait3A_140 = tpu.memref_slice %arg2[%add3A_9, %dma_wait3A_139] : memref<16384x128xf32, #tpu.memory_space<hbm>> -> memref<128x128xf32, #tpu.memory_space<hbm>>
    tpu.wait_dma2 semaphore(%arg20 : memref<!tpu.dma_semaphore, #tpu.memory_space<semaphore_mem>>) src(%dma_wait3A_140 : memref<128x128xf32, #tpu.memory_space<hbm>>) dst(%arg12 : memref<128x128xf32, #tpu.memory_space<vmem>>)
    %scan3A_141 = arith.constant 0 : i32
    %scan3A_142 = arith.constant 128 : i32
    %scan3A_143 = arith.addi %scan3A_141, %scan3A_142 : i32
    %scan3A_144 = arith.constant 2 : i32
    %scan3A_145:4 = scf.for %scan3A_195 = %scan3A_141 to %scan3A_143 step %scan3A_144 iter_args(%scan3A_196 = %scan3A_121#0, %scan3A_197 = %scan3A_121#1, %scan3A_198 = %scan3A_121#2, %scan3A_199 = %scan3A_121#3) -> (vector<16xf32>, vector<16xf32>, vector<16xf32>, vector<16xf32>)  : i32 {
      %add3A_200 = arith.constant 128 : i32
      %add3A_201 = arith.addi %add3A_200, %scan3A_195 : i32
      %mul3A_202 = arith.constant 16 : i32
      %mul3A_203 = arith.muli %add3A_201, %mul3A_202 : i32
      %get3A = arith.index_cast %mul3A_203 : i32 to index
      %get3A_204 = tpu.vector_load %arg9[%get3A] {strides = array<i32>} : memref<8192xf32, #tpu.memory_space<vmem>>, vector<16xf32>,
      %get3A_205 = vector.shape_cast %get3A_204 : vector<16xf32> to vector<16xf32>
      %get3A_206 = arith.index_cast %scan3A_195 : i32 to index
      %get3A_207 = arith.constant 0 : index
      %get3A_208 = tpu.vector_load %arg12[%get3A_206, %get3A_207] {strides = array<i32>} : memref<128x128xf32, #tpu.memory_space<vmem>>, vector<1x16xf32>,
      %get3A_209 = vector.shape_cast %get3A_208 : vector<1x16xf32> to vector<16xf32>
      %add3A_210 = arith.constant 128 : i32
      %add3A_211 = arith.addi %add3A_210, %scan3A_195 : i32
      %get3A_212 = arith.index_cast %add3A_211 : i32 to index
      %get3A_213 = arith.constant 0 : index
      %get3A_214 = tpu.vector_load %arg10[%get3A_212, %get3A_213] {strides = array<i32>} : memref<512x128xf32, #tpu.memory_space<vmem>>, vector<1x16xf32>,
      %get3A_215 = vector.shape_cast %get3A_214 : vector<1x16xf32> to vector<16xf32>
      %sub3A = arith.subf %get3A_209, %get3A_215 : vector<16xf32>
      %mul3A_216 = arith.mulf %get3A_205, %sub3A : vector<16xf32>
      %mul3A_217 = arith.mulf %mul3A_216, %sub3A : vector<16xf32>
      %add3A_218 = arith.addf %scan3A_196, %mul3A_217 : vector<16xf32>
      %get3A_219 = arith.index_cast %scan3A_195 : i32 to index
      %get3A_220 = arith.constant 16 : index
      %get3A_221 = tpu.vector_load %arg12[%get3A_219, %get3A_220] {strides = array<i32>} : memref<128x128xf32, #tpu.memory_space<vmem>>, vector<1x16xf32>,
      %get3A_222 = vector.shape_cast %get3A_221 : vector<1x16xf32> to vector<16xf32>
      %add3A_223 = arith.constant 128 : i32
      %add3A_224 = arith.addi %add3A_223, %scan3A_195 : i32
      %get3A_225 = arith.index_cast %add3A_224 : i32 to index
      %get3A_226 = arith.constant 16 : index
      %get3A_227 = tpu.vector_load %arg10[%get3A_225, %get3A_226] {strides = array<i32>} : memref<512x128xf32, #tpu.memory_space<vmem>>, vector<1x16xf32>,
      %get3A_228 = vector.shape_cast %get3A_227 : vector<1x16xf32> to vector<16xf32>
      %sub3A_229 = arith.subf %get3A_222, %get3A_228 : vector<16xf32>
      %mul3A_230 = arith.mulf %get3A_205, %sub3A_229 : vector<16xf32>
      %mul3A_231 = arith.mulf %mul3A_230, %sub3A_229 : vector<16xf32>
      %add3A_232 = arith.addf %scan3A_197, %mul3A_231 : vector<16xf32>
      %get3A_233 = arith.index_cast %scan3A_195 : i32 to index
      %get3A_234 = arith.constant 32 : index
      %get3A_235 = tpu.vector_load %arg12[%get3A_233, %get3A_234] {strides = array<i32>} : memref<128x128xf32, #tpu.memory_space<vmem>>, vector<1x16xf32>,
      %get3A_236 = vector.shape_cast %get3A_235 : vector<1x16xf32> to vector<16xf32>
      %add3A_237 = arith.constant 128 : i32
      %add3A_238 = arith.addi %add3A_237, %scan3A_195 : i32
      %get3A_239 = arith.index_cast %add3A_238 : i32 to index
      %get3A_240 = arith.constant 32 : index
      %get3A_241 = tpu.vector_load %arg10[%get3A_239, %get3A_240] {strides = array<i32>} : memref<512x128xf32, #tpu.memory_space<vmem>>, vector<1x16xf32>,
      %get3A_242 = vector.shape_cast %get3A_241 : vector<1x16xf32> to vector<16xf32>
      %sub3A_243 = arith.subf %get3A_236, %get3A_242 : vector<16xf32>
      %mul3A_244 = arith.mulf %get3A_205, %sub3A_243 : vector<16xf32>
      %mul3A_245 = arith.mulf %mul3A_244, %sub3A_243 : vector<16xf32>
      %add3A_246 = arith.addf %scan3A_198, %mul3A_245 : vector<16xf32>
      %get3A_247 = arith.index_cast %scan3A_195 : i32 to index
      %get3A_248 = arith.constant 48 : index
      %get3A_249 = tpu.vector_load %arg12[%get3A_247, %get3A_248] {strides = array<i32>} : memref<128x128xf32, #tpu.memory_space<vmem>>, vector<1x16xf32>,
      %get3A_250 = vector.shape_cast %get3A_249 : vector<1x16xf32> to vector<16xf32>
      %add3A_251 = arith.constant 128 : i32
      %add3A_252 = arith.addi %add3A_251, %scan3A_195 : i32
      %get3A_253 = arith.index_cast %add3A_252 : i32 to index
      %get3A_254 = arith.constant 48 : index
      %get3A_255 = tpu.vector_load %arg10[%get3A_253, %get3A_254] {strides = array<i32>} : memref<512x128xf32, #tpu.memory_space<vmem>>, vector<1x16xf32>,
      %get3A_256 = vector.shape_cast %get3A_255 : vector<1x16xf32> to vector<16xf32>
      %sub3A_257 = arith.subf %get3A_250, %get3A_256 : vector<16xf32>
      %mul3A_258 = arith.mulf %get3A_205, %sub3A_257 : vector<16xf32>
      %mul3A_259 = arith.mulf %mul3A_258, %sub3A_257 : vector<16xf32>
      %add3A_260 = arith.addf %scan3A_199, %mul3A_259 : vector<16xf32>
      %get3A_261 = arith.index_cast %scan3A_195 : i32 to index
      %get3A_262 = arith.constant 64 : index
      %get3A_263 = tpu.vector_load %arg12[%get3A_261, %get3A_262] {strides = array<i32>} : memref<128x128xf32, #tpu.memory_space<vmem>>, vector<1x16xf32>,
      %get3A_264 = vector.shape_cast %get3A_263 : vector<1x16xf32> to vector<16xf32>
      %add3A_265 = arith.constant 128 : i32
      %add3A_266 = arith.addi %add3A_265, %scan3A_195 : i32
      %get3A_267 = arith.index_cast %add3A_266 : i32 to index
      %get3A_268 = arith.constant 64 : index
      %get3A_269 = tpu.vector_load %arg10[%get3A_267, %get3A_268] {strides = array<i32>} : memref<512x128xf32, #tpu.memory_space<vmem>>, vector<1x16xf32>,
      %get3A_270 = vector.shape_cast %get3A_269 : vector<1x16xf32> to vector<16xf32>
      %sub3A_271 = arith.subf %get3A_264, %get3A_270 : vector<16xf32>
      %mul3A_272 = arith.mulf %get3A_205, %sub3A_271 : vector<16xf32>
      %mul3A_273 = arith.mulf %mul3A_272, %sub3A_271 : vector<16xf32>
      %add3A_274 = arith.addf %add3A_218, %mul3A_273 : vector<16xf32>
      %get3A_275 = arith.index_cast %scan3A_195 : i32 to index
      %get3A_276 = arith.constant 80 : index
      %get3A_277 = tpu.vector_load %arg12[%get3A_275, %get3A_276] {strides = array<i32>} : memref<128x128xf32, #tpu.memory_space<vmem>>, vector<1x16xf32>,
      %get3A_278 = vector.shape_cast %get3A_277 : vector<1x16xf32> to vector<16xf32>
      %add3A_279 = arith.constant 128 : i32
      %add3A_280 = arith.addi %add3A_279, %scan3A_195 : i32
      %get3A_281 = arith.index_cast %add3A_280 : i32 to index
      %get3A_282 = arith.constant 80 : index
      %get3A_283 = tpu.vector_load %arg10[%get3A_281, %get3A_282] {strides = array<i32>} : memref<512x128xf32, #tpu.memory_space<vmem>>, vector<1x16xf32>,
      %get3A_284 = vector.shape_cast %get3A_283 : vector<1x16xf32> to vector<16xf32>
      %sub3A_285 = arith.subf %get3A_278, %get3A_284 : vector<16xf32>
      %mul3A_286 = arith.mulf %get3A_205, %sub3A_285 : vector<16xf32>
      %mul3A_287 = arith.mulf %mul3A_286, %sub3A_285 : vector<16xf32>
      %add3A_288 = arith.addf %add3A_232, %mul3A_287 : vector<16xf32>
      %get3A_289 = arith.index_cast %scan3A_195 : i32 to index
      %get3A_290 = arith.constant 96 : index
      %get3A_291 = tpu.vector_load %arg12[%get3A_289, %get3A_290] {strides = array<i32>} : memref<128x128xf32, #tpu.memory_space<vmem>>, vector<1x16xf32>,
      %get3A_292 = vector.shape_cast %get3A_291 : vector<1x16xf32> to vector<16xf32>
      %add3A_293 = arith.constant 128 : i32
      %add3A_294 = arith.addi %add3A_293, %scan3A_195 : i32
      %get3A_295 = arith.index_cast %add3A_294 : i32 to index
      %get3A_296 = arith.constant 96 : index
      %get3A_297 = tpu.vector_load %arg10[%get3A_295, %get3A_296] {strides = array<i32>} : memref<512x128xf32, #tpu.memory_space<vmem>>, vector<1x16xf32>,
      %get3A_298 = vector.shape_cast %get3A_297 : vector<1x16xf32> to vector<16xf32>
      %sub3A_299 = arith.subf %get3A_292, %get3A_298 : vector<16xf32>
      %mul3A_300 = arith.mulf %get3A_205, %sub3A_299 : vector<16xf32>
      %mul3A_301 = arith.mulf %mul3A_300, %sub3A_299 : vector<16xf32>
      %add3A_302 = arith.addf %add3A_246, %mul3A_301 : vector<16xf32>
      %get3A_303 = arith.index_cast %scan3A_195 : i32 to index
      %get3A_304 = arith.constant 112 : index
      %get3A_305 = tpu.vector_load %arg12[%get3A_303, %get3A_304] {strides = array<i32>} : memref<128x128xf32, #tpu.memory_space<vmem>>, vector<1x16xf32>,
      %get3A_306 = vector.shape_cast %get3A_305 : vector<1x16xf32> to vector<16xf32>
      %add3A_307 = arith.constant 128 : i32
      %add3A_308 = arith.addi %add3A_307, %scan3A_195 : i32
      %get3A_309 = arith.index_cast %add3A_308 : i32 to index
      %get3A_310 = arith.constant 112 : index
      %get3A_311 = tpu.vector_load %arg10[%get3A_309, %get3A_310] {strides = array<i32>} : memref<512x128xf32, #tpu.memory_space<vmem>>, vector<1x16xf32>,
      %get3A_312 = vector.shape_cast %get3A_311 : vector<1x16xf32> to vector<16xf32>
      %sub3A_313 = arith.subf %get3A_306, %get3A_312 : vector<16xf32>
      %mul3A_314 = arith.mulf %get3A_205, %sub3A_313 : vector<16xf32>
      %mul3A_315 = arith.mulf %mul3A_314, %sub3A_313 : vector<16xf32>
      %add3A_316 = arith.addf %add3A_260, %mul3A_315 : vector<16xf32>
      %scan3A_317 = arith.constant 1 : i32
      %scan3A_318 = arith.addi %scan3A_195, %scan3A_317 : i32
      %add3A_319 = arith.constant 128 : i32
      %add3A_320 = arith.addi %add3A_319, %scan3A_318 : i32
      %mul3A_321 = arith.constant 16 : i32
      %mul3A_322 = arith.muli %add3A_320, %mul3A_321 : i32
      %get3A_323 = arith.index_cast %mul3A_322 : i32 to index
      %get3A_324 = tpu.vector_load %arg9[%get3A_323] {strides = array<i32>} : memref<8192xf32, #tpu.memory_space<vmem>>, vector<16xf32>,
      %get3A_325 = vector.shape_cast %get3A_324 : vector<16xf32> to vector<16xf32>
      %get3A_326 = arith.index_cast %scan3A_318 : i32 to index
      %get3A_327 = arith.constant 0 : index
      %get3A_328 = tpu.vector_load %arg12[%get3A_326, %get3A_327] {strides = array<i32>} : memref<128x128xf32, #tpu.memory_space<vmem>>, vector<1x16xf32>,
      %get3A_329 = vector.shape_cast %get3A_328 : vector<1x16xf32> to vector<16xf32>
      %add3A_330 = arith.constant 128 : i32
      %add3A_331 = arith.addi %add3A_330, %scan3A_318 : i32
      %get3A_332 = arith.index_cast %add3A_331 : i32 to index
      %get3A_333 = arith.constant 0 : index
      %get3A_334 = tpu.vector_load %arg10[%get3A_332, %get3A_333] {strides = array<i32>} : memref<512x128xf32, #tpu.memory_space<vmem>>, vector<1x16xf32>,
      %get3A_335 = vector.shape_cast %get3A_334 : vector<1x16xf32> to vector<16xf32>
      %sub3A_336 = arith.subf %get3A_329, %get3A_335 : vector<16xf32>
      %mul3A_337 = arith.mulf %get3A_325, %sub3A_336 : vector<16xf32>
      %mul3A_338 = arith.mulf %mul3A_337, %sub3A_336 : vector<16xf32>
      %add3A_339 = arith.addf %add3A_274, %mul3A_338 : vector<16xf32>
      %get3A_340 = arith.index_cast %scan3A_318 : i32 to index
      %get3A_341 = arith.constant 16 : index
      %get3A_342 = tpu.vector_load %arg12[%get3A_340, %get3A_341] {strides = array<i32>} : memref<128x128xf32, #tpu.memory_space<vmem>>, vector<1x16xf32>,
      %get3A_343 = vector.shape_cast %get3A_342 : vector<1x16xf32> to vector<16xf32>
      %add3A_344 = arith.constant 128 : i32
      %add3A_345 = arith.addi %add3A_344, %scan3A_318 : i32
      %get3A_346 = arith.index_cast %add3A_345 : i32 to index
      %get3A_347 = arith.constant 16 : index
      %get3A_348 = tpu.vector_load %arg10[%get3A_346, %get3A_347] {strides = array<i32>} : memref<512x128xf32, #tpu.memory_space<vmem>>, vector<1x16xf32>,
      %get3A_349 = vector.shape_cast %get3A_348 : vector<1x16xf32> to vector<16xf32>
      %sub3A_350 = arith.subf %get3A_343, %get3A_349 : vector<16xf32>
      %mul3A_351 = arith.mulf %get3A_325, %sub3A_350 : vector<16xf32>
      %mul3A_352 = arith.mulf %mul3A_351, %sub3A_350 : vector<16xf32>
      %add3A_353 = arith.addf %add3A_288, %mul3A_352 : vector<16xf32>
      %get3A_354 = arith.index_cast %scan3A_318 : i32 to index
      %get3A_355 = arith.constant 32 : index
      %get3A_356 = tpu.vector_load %arg12[%get3A_354, %get3A_355] {strides = array<i32>} : memref<128x128xf32, #tpu.memory_space<vmem>>, vector<1x16xf32>,
      %get3A_357 = vector.shape_cast %get3A_356 : vector<1x16xf32> to vector<16xf32>
      %add3A_358 = arith.constant 128 : i32
      %add3A_359 = arith.addi %add3A_358, %scan3A_318 : i32
      %get3A_360 = arith.index_cast %add3A_359 : i32 to index
      %get3A_361 = arith.constant 32 : index
      %get3A_362 = tpu.vector_load %arg10[%get3A_360, %get3A_361] {strides = array<i32>} : memref<512x128xf32, #tpu.memory_space<vmem>>, vector<1x16xf32>,
      %get3A_363 = vector.shape_cast %get3A_362 : vector<1x16xf32> to vector<16xf32>
      %sub3A_364 = arith.subf %get3A_357, %get3A_363 : vector<16xf32>
      %mul3A_365 = arith.mulf %get3A_325, %sub3A_364 : vector<16xf32>
      %mul3A_366 = arith.mulf %mul3A_365, %sub3A_364 : vector<16xf32>
      %add3A_367 = arith.addf %add3A_302, %mul3A_366 : vector<16xf32>
      %get3A_368 = arith.index_cast %scan3A_318 : i32 to index
      %get3A_369 = arith.constant 48 : index
      %get3A_370 = tpu.vector_load %arg12[%get3A_368, %get3A_369] {strides = array<i32>} : memref<128x128xf32, #tpu.memory_space<vmem>>, vector<1x16xf32>,
      %get3A_371 = vector.shape_cast %get3A_370 : vector<1x16xf32> to vector<16xf32>
      %add3A_372 = arith.constant 128 : i32
      %add3A_373 = arith.addi %add3A_372, %scan3A_318 : i32
      %get3A_374 = arith.index_cast %add3A_373 : i32 to index
      %get3A_375 = arith.constant 48 : index
      %get3A_376 = tpu.vector_load %arg10[%get3A_374, %get3A_375] {strides = array<i32>} : memref<512x128xf32, #tpu.memory_space<vmem>>, vector<1x16xf32>,
      %get3A_377 = vector.shape_cast %get3A_376 : vector<1x16xf32> to vector<16xf32>
      %sub3A_378 = arith.subf %get3A_371, %get3A_377 : vector<16xf32>
      %mul3A_379 = arith.mulf %get3A_325, %sub3A_378 : vector<16xf32>
      %mul3A_380 = arith.mulf %mul3A_379, %sub3A_378 : vector<16xf32>
      %add3A_381 = arith.addf %add3A_316, %mul3A_380 : vector<16xf32>
      %get3A_382 = arith.index_cast %scan3A_318 : i32 to index
      %get3A_383 = arith.constant 64 : index
      %get3A_384 = tpu.vector_load %arg12[%get3A_382, %get3A_383] {strides = array<i32>} : memref<128x128xf32, #tpu.memory_space<vmem>>, vector<1x16xf32>,
      %get3A_385 = vector.shape_cast %get3A_384 : vector<1x16xf32> to vector<16xf32>
      %add3A_386 = arith.constant 128 : i32
      %add3A_387 = arith.addi %add3A_386, %scan3A_318 : i32
      %get3A_388 = arith.index_cast %add3A_387 : i32 to index
      %get3A_389 = arith.constant 64 : index
      %get3A_390 = tpu.vector_load %arg10[%get3A_388, %get3A_389] {strides = array<i32>} : memref<512x128xf32, #tpu.memory_space<vmem>>, vector<1x16xf32>,
      %get3A_391 = vector.shape_cast %get3A_390 : vector<1x16xf32> to vector<16xf32>
      %sub3A_392 = arith.subf %get3A_385, %get3A_391 : vector<16xf32>
      %mul3A_393 = arith.mulf %get3A_325, %sub3A_392 : vector<16xf32>
      %mul3A_394 = arith.mulf %mul3A_393, %sub3A_392 : vector<16xf32>
      %add3A_395 = arith.addf %add3A_339, %mul3A_394 : vector<16xf32>
      %get3A_396 = arith.index_cast %scan3A_318 : i32 to index
      %get3A_397 = arith.constant 80 : index
      %get3A_398 = tpu.vector_load %arg12[%get3A_396, %get3A_397] {strides = array<i32>} : memref<128x128xf32, #tpu.memory_space<vmem>>, vector<1x16xf32>,
      %get3A_399 = vector.shape_cast %get3A_398 : vector<1x16xf32> to vector<16xf32>
      %add3A_400 = arith.constant 128 : i32
      %add3A_401 = arith.addi %add3A_400, %scan3A_318 : i32
      %get3A_402 = arith.index_cast %add3A_401 : i32 to index
      %get3A_403 = arith.constant 80 : index
      %get3A_404 = tpu.vector_load %arg10[%get3A_402, %get3A_403] {strides = array<i32>} : memref<512x128xf32, #tpu.memory_space<vmem>>, vector<1x16xf32>,
      %get3A_405 = vector.shape_cast %get3A_404 : vector<1x16xf32> to vector<16xf32>
      %sub3A_406 = arith.subf %get3A_399, %get3A_405 : vector<16xf32>
      %mul3A_407 = arith.mulf %get3A_325, %sub3A_406 : vector<16xf32>
      %mul3A_408 = arith.mulf %mul3A_407, %sub3A_406 : vector<16xf32>
      %add3A_409 = arith.addf %add3A_353, %mul3A_408 : vector<16xf32>
      %get3A_410 = arith.index_cast %scan3A_318 : i32 to index
      %get3A_411 = arith.constant 96 : index
      %get3A_412 = tpu.vector_load %arg12[%get3A_410, %get3A_411] {strides = array<i32>} : memref<128x128xf32, #tpu.memory_space<vmem>>, vector<1x16xf32>,
      %get3A_413 = vector.shape_cast %get3A_412 : vector<1x16xf32> to vector<16xf32>
      %add3A_414 = arith.constant 128 : i32
      %add3A_415 = arith.addi %add3A_414, %scan3A_318 : i32
      %get3A_416 = arith.index_cast %add3A_415 : i32 to index
      %get3A_417 = arith.constant 96 : index
      %get3A_418 = tpu.vector_load %arg10[%get3A_416, %get3A_417] {strides = array<i32>} : memref<512x128xf32, #tpu.memory_space<vmem>>, vector<1x16xf32>,
      %get3A_419 = vector.shape_cast %get3A_418 : vector<1x16xf32> to vector<16xf32>
      %sub3A_420 = arith.subf %get3A_413, %get3A_419 : vector<16xf32>
      %mul3A_421 = arith.mulf %get3A_325, %sub3A_420 : vector<16xf32>
      %mul3A_422 = arith.mulf %mul3A_421, %sub3A_420 : vector<16xf32>
      %add3A_423 = arith.addf %add3A_367, %mul3A_422 : vector<16xf32>
      %get3A_424 = arith.index_cast %scan3A_318 : i32 to index
      %get3A_425 = arith.constant 112 : index
      %get3A_426 = tpu.vector_load %arg12[%get3A_424, %get3A_425] {strides = array<i32>} : memref<128x128xf32, #tpu.memory_space<vmem>>, vector<1x16xf32>,
      %get3A_427 = vector.shape_cast %get3A_426 : vector<1x16xf32> to vector<16xf32>
      %add3A_428 = arith.constant 128 : i32
      %add3A_429 = arith.addi %add3A_428, %scan3A_318 : i32
      %get3A_430 = arith.index_cast %add3A_429 : i32 to index
      %get3A_431 = arith.constant 112 : index
      %get3A_432 = tpu.vector_load %arg10[%get3A_430, %get3A_431] {strides = array<i32>} : memref<512x128xf32, #tpu.memory_space<vmem>>, vector<1x16xf32>,
      %get3A_433 = vector.shape_cast %get3A_432 : vector<1x16xf32> to vector<16xf32>
      %sub3A_434 = arith.subf %get3A_427, %get3A_433 : vector<16xf32>
      %mul3A_435 = arith.mulf %get3A_325, %sub3A_434 : vector<16xf32>
      %mul3A_436 = arith.mulf %mul3A_435, %sub3A_434 : vector<16xf32>
      %add3A_437 = arith.addf %add3A_381, %mul3A_436 : vector<16xf32>
      scf.yield %add3A_395, %add3A_409, %add3A_423, %add3A_437 : vector<16xf32>, vector<16xf32>, vector<16xf32>, vector<16xf32>
    }
    %scan3A_146 = arith.constant 128 : i32
    %add3A_147 = arith.constant 384 : i32
    %add3A_148 = arith.addi %mul3A_2, %add3A_147 : i32
    %dma_start3A_149 = arith.constant 0 : i32
    %dma_start3A_150 = tpu.memref_slice %arg2[%add3A_148, %dma_start3A_149] : memref<16384x128xf32, #tpu.memory_space<hbm>> -> memref<128x128xf32, #tpu.memory_space<hbm>>
    %dma_start3A_151 = arith.constant 0 : i32
    %dma_start3A_152 = tpu.memref_slice %arg2[%add3A_148, %dma_start3A_151] : memref<16384x128xf32, #tpu.memory_space<hbm>> -> memref<128x128xf32, #tpu.memory_space<hbm>>
    tpu.enqueue_dma source(%dma_start3A_152 : memref<128x128xf32, #tpu.memory_space<hbm>>) target(%arg12 : memref<128x128xf32, #tpu.memory_space<vmem>>) target_semaphore(%arg20 : memref<!tpu.dma_semaphore, #tpu.memory_space<semaphore_mem>>)
    %dma_wait3A_153 = arith.constant 256 : i32
    %dma_wait3A_154 = arith.constant 0 : i32
    %dma_wait3A_155 = tpu.memref_slice %arg10[%dma_wait3A_153, %dma_wait3A_154] : memref<512x128xf32, #tpu.memory_space<vmem>> -> memref<128x128xf32, #tpu.memory_space<vmem>>
    %dma_wait3A_156 = arith.constant 256 : i32
    %dma_wait3A_157 = tpu.memref_slice %arg7[%dma_wait3A_156] : memref<512xi32, #tpu.memory_space<vmem>> -> memref<128xi32, #tpu.memory_space<vmem>>
    %dma_wait3A_158 = arith.constant 0 : i32
    %dma_wait3A_159 = arith.constant 0 : i32
    %dma_wait3A_160 = tpu.memref_slice %arg4[%dma_wait3A_158, %dma_wait3A_159] : memref<1000x128xf32, #tpu.memory_space<hbm>> -> memref<1000x128xf32, #tpu.memory_space<hbm>>
    tpu.wait_indirect_dma semaphore(%arg17 : memref<!tpu.dma_semaphore, #tpu.memory_space<semaphore_mem>>) src(%dma_wait3A_160 : memref<1000x128xf32, #tpu.memory_space<hbm>>) dst(%dma_wait3A_155 : memref<128x128xf32, #tpu.memory_space<vmem>>)
    %dma_wait3A_161 = arith.constant 0 : i32
    %dma_wait3A_162 = tpu.memref_slice %arg2[%add3A_124, %dma_wait3A_161] : memref<16384x128xf32, #tpu.memory_space<hbm>> -> memref<128x128xf32, #tpu.memory_space<hbm>>
    %dma_wait3A_163 = arith.constant 0 : i32
    %dma_wait3A_164 = tpu.memref_slice %arg2[%add3A_124, %dma_wait3A_163] : memref<16384x128xf32, #tpu.memory_space<hbm>> -> memref<128x128xf32, #tpu.memory_space<hbm>>
    tpu.wait_dma2 semaphore(%arg19 : memref<!tpu.dma_semaphore, #tpu.memory_space<semaphore_mem>>) src(%dma_wait3A_164 : memref<128x128xf32, #tpu.memory_space<hbm>>) dst(%arg11 : memref<128x128xf32, #tpu.memory_space<vmem>>)
    %scan3A_165 = arith.constant 0 : i32
    %scan3A_166 = arith.constant 128 : i32
    %scan3A_167 = arith.addi %scan3A_165, %scan3A_166 : i32
    %scan3A_168 = arith.constant 2 : i32
    %scan3A_169:4 = scf.for %scan3A_195 = %scan3A_165 to %scan3A_167 step %scan3A_168 iter_args(%scan3A_196 = %scan3A_145#0, %scan3A_197 = %scan3A_145#1, %scan3A_198 = %scan3A_145#2, %scan3A_199 = %scan3A_145#3) -> (vector<16xf32>, vector<16xf32>, vector<16xf32>, vector<16xf32>)  : i32 {
      %add3A_200 = arith.constant 256 : i32
      %add3A_201 = arith.addi %add3A_200, %scan3A_195 : i32
      %mul3A_202 = arith.constant 16 : i32
      %mul3A_203 = arith.muli %add3A_201, %mul3A_202 : i32
      %get3A = arith.index_cast %mul3A_203 : i32 to index
      %get3A_204 = tpu.vector_load %arg9[%get3A] {strides = array<i32>} : memref<8192xf32, #tpu.memory_space<vmem>>, vector<16xf32>,
      %get3A_205 = vector.shape_cast %get3A_204 : vector<16xf32> to vector<16xf32>
      %get3A_206 = arith.index_cast %scan3A_195 : i32 to index
      %get3A_207 = arith.constant 0 : index
      %get3A_208 = tpu.vector_load %arg11[%get3A_206, %get3A_207] {strides = array<i32>} : memref<128x128xf32, #tpu.memory_space<vmem>>, vector<1x16xf32>,
      %get3A_209 = vector.shape_cast %get3A_208 : vector<1x16xf32> to vector<16xf32>
      %add3A_210 = arith.constant 256 : i32
      %add3A_211 = arith.addi %add3A_210, %scan3A_195 : i32
      %get3A_212 = arith.index_cast %add3A_211 : i32 to index
      %get3A_213 = arith.constant 0 : index
      %get3A_214 = tpu.vector_load %arg10[%get3A_212, %get3A_213] {strides = array<i32>} : memref<512x128xf32, #tpu.memory_space<vmem>>, vector<1x16xf32>,
      %get3A_215 = vector.shape_cast %get3A_214 : vector<1x16xf32> to vector<16xf32>
      %sub3A = arith.subf %get3A_209, %get3A_215 : vector<16xf32>
      %mul3A_216 = arith.mulf %get3A_205, %sub3A : vector<16xf32>
      %mul3A_217 = arith.mulf %mul3A_216, %sub3A : vector<16xf32>
      %add3A_218 = arith.addf %scan3A_196, %mul3A_217 : vector<16xf32>
      %get3A_219 = arith.index_cast %scan3A_195 : i32 to index
      %get3A_220 = arith.constant 16 : index
      %get3A_221 = tpu.vector_load %arg11[%get3A_219, %get3A_220] {strides = array<i32>} : memref<128x128xf32, #tpu.memory_space<vmem>>, vector<1x16xf32>,
      %get3A_222 = vector.shape_cast %get3A_221 : vector<1x16xf32> to vector<16xf32>
      %add3A_223 = arith.constant 256 : i32
      %add3A_224 = arith.addi %add3A_223, %scan3A_195 : i32
      %get3A_225 = arith.index_cast %add3A_224 : i32 to index
      %get3A_226 = arith.constant 16 : index
      %get3A_227 = tpu.vector_load %arg10[%get3A_225, %get3A_226] {strides = array<i32>} : memref<512x128xf32, #tpu.memory_space<vmem>>, vector<1x16xf32>,
      %get3A_228 = vector.shape_cast %get3A_227 : vector<1x16xf32> to vector<16xf32>
      %sub3A_229 = arith.subf %get3A_222, %get3A_228 : vector<16xf32>
      %mul3A_230 = arith.mulf %get3A_205, %sub3A_229 : vector<16xf32>
      %mul3A_231 = arith.mulf %mul3A_230, %sub3A_229 : vector<16xf32>
      %add3A_232 = arith.addf %scan3A_197, %mul3A_231 : vector<16xf32>
      %get3A_233 = arith.index_cast %scan3A_195 : i32 to index
      %get3A_234 = arith.constant 32 : index
      %get3A_235 = tpu.vector_load %arg11[%get3A_233, %get3A_234] {strides = array<i32>} : memref<128x128xf32, #tpu.memory_space<vmem>>, vector<1x16xf32>,
      %get3A_236 = vector.shape_cast %get3A_235 : vector<1x16xf32> to vector<16xf32>
      %add3A_237 = arith.constant 256 : i32
      %add3A_238 = arith.addi %add3A_237, %scan3A_195 : i32
      %get3A_239 = arith.index_cast %add3A_238 : i32 to index
      %get3A_240 = arith.constant 32 : index
      %get3A_241 = tpu.vector_load %arg10[%get3A_239, %get3A_240] {strides = array<i32>} : memref<512x128xf32, #tpu.memory_space<vmem>>, vector<1x16xf32>,
      %get3A_242 = vector.shape_cast %get3A_241 : vector<1x16xf32> to vector<16xf32>
      %sub3A_243 = arith.subf %get3A_236, %get3A_242 : vector<16xf32>
      %mul3A_244 = arith.mulf %get3A_205, %sub3A_243 : vector<16xf32>
      %mul3A_245 = arith.mulf %mul3A_244, %sub3A_243 : vector<16xf32>
      %add3A_246 = arith.addf %scan3A_198, %mul3A_245 : vector<16xf32>
      %get3A_247 = arith.index_cast %scan3A_195 : i32 to index
      %get3A_248 = arith.constant 48 : index
      %get3A_249 = tpu.vector_load %arg11[%get3A_247, %get3A_248] {strides = array<i32>} : memref<128x128xf32, #tpu.memory_space<vmem>>, vector<1x16xf32>,
      %get3A_250 = vector.shape_cast %get3A_249 : vector<1x16xf32> to vector<16xf32>
      %add3A_251 = arith.constant 256 : i32
      %add3A_252 = arith.addi %add3A_251, %scan3A_195 : i32
      %get3A_253 = arith.index_cast %add3A_252 : i32 to index
      %get3A_254 = arith.constant 48 : index
      %get3A_255 = tpu.vector_load %arg10[%get3A_253, %get3A_254] {strides = array<i32>} : memref<512x128xf32, #tpu.memory_space<vmem>>, vector<1x16xf32>,
      %get3A_256 = vector.shape_cast %get3A_255 : vector<1x16xf32> to vector<16xf32>
      %sub3A_257 = arith.subf %get3A_250, %get3A_256 : vector<16xf32>
      %mul3A_258 = arith.mulf %get3A_205, %sub3A_257 : vector<16xf32>
      %mul3A_259 = arith.mulf %mul3A_258, %sub3A_257 : vector<16xf32>
      %add3A_260 = arith.addf %scan3A_199, %mul3A_259 : vector<16xf32>
      %get3A_261 = arith.index_cast %scan3A_195 : i32 to index
      %get3A_262 = arith.constant 64 : index
      %get3A_263 = tpu.vector_load %arg11[%get3A_261, %get3A_262] {strides = array<i32>} : memref<128x128xf32, #tpu.memory_space<vmem>>, vector<1x16xf32>,
      %get3A_264 = vector.shape_cast %get3A_263 : vector<1x16xf32> to vector<16xf32>
      %add3A_265 = arith.constant 256 : i32
      %add3A_266 = arith.addi %add3A_265, %scan3A_195 : i32
      %get3A_267 = arith.index_cast %add3A_266 : i32 to index
      %get3A_268 = arith.constant 64 : index
      %get3A_269 = tpu.vector_load %arg10[%get3A_267, %get3A_268] {strides = array<i32>} : memref<512x128xf32, #tpu.memory_space<vmem>>, vector<1x16xf32>,
      %get3A_270 = vector.shape_cast %get3A_269 : vector<1x16xf32> to vector<16xf32>
      %sub3A_271 = arith.subf %get3A_264, %get3A_270 : vector<16xf32>
      %mul3A_272 = arith.mulf %get3A_205, %sub3A_271 : vector<16xf32>
      %mul3A_273 = arith.mulf %mul3A_272, %sub3A_271 : vector<16xf32>
      %add3A_274 = arith.addf %add3A_218, %mul3A_273 : vector<16xf32>
      %get3A_275 = arith.index_cast %scan3A_195 : i32 to index
      %get3A_276 = arith.constant 80 : index
      %get3A_277 = tpu.vector_load %arg11[%get3A_275, %get3A_276] {strides = array<i32>} : memref<128x128xf32, #tpu.memory_space<vmem>>, vector<1x16xf32>,
      %get3A_278 = vector.shape_cast %get3A_277 : vector<1x16xf32> to vector<16xf32>
      %add3A_279 = arith.constant 256 : i32
      %add3A_280 = arith.addi %add3A_279, %scan3A_195 : i32
      %get3A_281 = arith.index_cast %add3A_280 : i32 to index
      %get3A_282 = arith.constant 80 : index
      %get3A_283 = tpu.vector_load %arg10[%get3A_281, %get3A_282] {strides = array<i32>} : memref<512x128xf32, #tpu.memory_space<vmem>>, vector<1x16xf32>,
      %get3A_284 = vector.shape_cast %get3A_283 : vector<1x16xf32> to vector<16xf32>
      %sub3A_285 = arith.subf %get3A_278, %get3A_284 : vector<16xf32>
      %mul3A_286 = arith.mulf %get3A_205, %sub3A_285 : vector<16xf32>
      %mul3A_287 = arith.mulf %mul3A_286, %sub3A_285 : vector<16xf32>
      %add3A_288 = arith.addf %add3A_232, %mul3A_287 : vector<16xf32>
      %get3A_289 = arith.index_cast %scan3A_195 : i32 to index
      %get3A_290 = arith.constant 96 : index
      %get3A_291 = tpu.vector_load %arg11[%get3A_289, %get3A_290] {strides = array<i32>} : memref<128x128xf32, #tpu.memory_space<vmem>>, vector<1x16xf32>,
      %get3A_292 = vector.shape_cast %get3A_291 : vector<1x16xf32> to vector<16xf32>
      %add3A_293 = arith.constant 256 : i32
      %add3A_294 = arith.addi %add3A_293, %scan3A_195 : i32
      %get3A_295 = arith.index_cast %add3A_294 : i32 to index
      %get3A_296 = arith.constant 96 : index
      %get3A_297 = tpu.vector_load %arg10[%get3A_295, %get3A_296] {strides = array<i32>} : memref<512x128xf32, #tpu.memory_space<vmem>>, vector<1x16xf32>,
      %get3A_298 = vector.shape_cast %get3A_297 : vector<1x16xf32> to vector<16xf32>
      %sub3A_299 = arith.subf %get3A_292, %get3A_298 : vector<16xf32>
      %mul3A_300 = arith.mulf %get3A_205, %sub3A_299 : vector<16xf32>
      %mul3A_301 = arith.mulf %mul3A_300, %sub3A_299 : vector<16xf32>
      %add3A_302 = arith.addf %add3A_246, %mul3A_301 : vector<16xf32>
      %get3A_303 = arith.index_cast %scan3A_195 : i32 to index
      %get3A_304 = arith.constant 112 : index
      %get3A_305 = tpu.vector_load %arg11[%get3A_303, %get3A_304] {strides = array<i32>} : memref<128x128xf32, #tpu.memory_space<vmem>>, vector<1x16xf32>,
      %get3A_306 = vector.shape_cast %get3A_305 : vector<1x16xf32> to vector<16xf32>
      %add3A_307 = arith.constant 256 : i32
      %add3A_308 = arith.addi %add3A_307, %scan3A_195 : i32
      %get3A_309 = arith.index_cast %add3A_308 : i32 to index
      %get3A_310 = arith.constant 112 : index
      %get3A_311 = tpu.vector_load %arg10[%get3A_309, %get3A_310] {strides = array<i32>} : memref<512x128xf32, #tpu.memory_space<vmem>>, vector<1x16xf32>,
      %get3A_312 = vector.shape_cast %get3A_311 : vector<1x16xf32> to vector<16xf32>
      %sub3A_313 = arith.subf %get3A_306, %get3A_312 : vector<16xf32>
      %mul3A_314 = arith.mulf %get3A_205, %sub3A_313 : vector<16xf32>
      %mul3A_315 = arith.mulf %mul3A_314, %sub3A_313 : vector<16xf32>
      %add3A_316 = arith.addf %add3A_260, %mul3A_315 : vector<16xf32>
      %scan3A_317 = arith.constant 1 : i32
      %scan3A_318 = arith.addi %scan3A_195, %scan3A_317 : i32
      %add3A_319 = arith.constant 256 : i32
      %add3A_320 = arith.addi %add3A_319, %scan3A_318 : i32
      %mul3A_321 = arith.constant 16 : i32
      %mul3A_322 = arith.muli %add3A_320, %mul3A_321 : i32
      %get3A_323 = arith.index_cast %mul3A_322 : i32 to index
      %get3A_324 = tpu.vector_load %arg9[%get3A_323] {strides = array<i32>} : memref<8192xf32, #tpu.memory_space<vmem>>, vector<16xf32>,
      %get3A_325 = vector.shape_cast %get3A_324 : vector<16xf32> to vector<16xf32>
      %get3A_326 = arith.index_cast %scan3A_318 : i32 to index
      %get3A_327 = arith.constant 0 : index
      %get3A_328 = tpu.vector_load %arg11[%get3A_326, %get3A_327] {strides = array<i32>} : memref<128x128xf32, #tpu.memory_space<vmem>>, vector<1x16xf32>,
      %get3A_329 = vector.shape_cast %get3A_328 : vector<1x16xf32> to vector<16xf32>
      %add3A_330 = arith.constant 256 : i32
      %add3A_331 = arith.addi %add3A_330, %scan3A_318 : i32
      %get3A_332 = arith.index_cast %add3A_331 : i32 to index
      %get3A_333 = arith.constant 0 : index
      %get3A_334 = tpu.vector_load %arg10[%get3A_332, %get3A_333] {strides = array<i32>} : memref<512x128xf32, #tpu.memory_space<vmem>>, vector<1x16xf32>,
      %get3A_335 = vector.shape_cast %get3A_334 : vector<1x16xf32> to vector<16xf32>
      %sub3A_336 = arith.subf %get3A_329, %get3A_335 : vector<16xf32>
      %mul3A_337 = arith.mulf %get3A_325, %sub3A_336 : vector<16xf32>
      %mul3A_338 = arith.mulf %mul3A_337, %sub3A_336 : vector<16xf32>
      %add3A_339 = arith.addf %add3A_274, %mul3A_338 : vector<16xf32>
      %get3A_340 = arith.index_cast %scan3A_318 : i32 to index
      %get3A_341 = arith.constant 16 : index
      %get3A_342 = tpu.vector_load %arg11[%get3A_340, %get3A_341] {strides = array<i32>} : memref<128x128xf32, #tpu.memory_space<vmem>>, vector<1x16xf32>,
      %get3A_343 = vector.shape_cast %get3A_342 : vector<1x16xf32> to vector<16xf32>
      %add3A_344 = arith.constant 256 : i32
      %add3A_345 = arith.addi %add3A_344, %scan3A_318 : i32
      %get3A_346 = arith.index_cast %add3A_345 : i32 to index
      %get3A_347 = arith.constant 16 : index
      %get3A_348 = tpu.vector_load %arg10[%get3A_346, %get3A_347] {strides = array<i32>} : memref<512x128xf32, #tpu.memory_space<vmem>>, vector<1x16xf32>,
      %get3A_349 = vector.shape_cast %get3A_348 : vector<1x16xf32> to vector<16xf32>
      %sub3A_350 = arith.subf %get3A_343, %get3A_349 : vector<16xf32>
      %mul3A_351 = arith.mulf %get3A_325, %sub3A_350 : vector<16xf32>
      %mul3A_352 = arith.mulf %mul3A_351, %sub3A_350 : vector<16xf32>
      %add3A_353 = arith.addf %add3A_288, %mul3A_352 : vector<16xf32>
      %get3A_354 = arith.index_cast %scan3A_318 : i32 to index
      %get3A_355 = arith.constant 32 : index
      %get3A_356 = tpu.vector_load %arg11[%get3A_354, %get3A_355] {strides = array<i32>} : memref<128x128xf32, #tpu.memory_space<vmem>>, vector<1x16xf32>,
      %get3A_357 = vector.shape_cast %get3A_356 : vector<1x16xf32> to vector<16xf32>
      %add3A_358 = arith.constant 256 : i32
      %add3A_359 = arith.addi %add3A_358, %scan3A_318 : i32
      %get3A_360 = arith.index_cast %add3A_359 : i32 to index
      %get3A_361 = arith.constant 32 : index
      %get3A_362 = tpu.vector_load %arg10[%get3A_360, %get3A_361] {strides = array<i32>} : memref<512x128xf32, #tpu.memory_space<vmem>>, vector<1x16xf32>,
      %get3A_363 = vector.shape_cast %get3A_362 : vector<1x16xf32> to vector<16xf32>
      %sub3A_364 = arith.subf %get3A_357, %get3A_363 : vector<16xf32>
      %mul3A_365 = arith.mulf %get3A_325, %sub3A_364 : vector<16xf32>
      %mul3A_366 = arith.mulf %mul3A_365, %sub3A_364 : vector<16xf32>
      %add3A_367 = arith.addf %add3A_302, %mul3A_366 : vector<16xf32>
      %get3A_368 = arith.index_cast %scan3A_318 : i32 to index
      %get3A_369 = arith.constant 48 : index
      %get3A_370 = tpu.vector_load %arg11[%get3A_368, %get3A_369] {strides = array<i32>} : memref<128x128xf32, #tpu.memory_space<vmem>>, vector<1x16xf32>,
      %get3A_371 = vector.shape_cast %get3A_370 : vector<1x16xf32> to vector<16xf32>
      %add3A_372 = arith.constant 256 : i32
      %add3A_373 = arith.addi %add3A_372, %scan3A_318 : i32
      %get3A_374 = arith.index_cast %add3A_373 : i32 to index
      %get3A_375 = arith.constant 48 : index
      %get3A_376 = tpu.vector_load %arg10[%get3A_374, %get3A_375] {strides = array<i32>} : memref<512x128xf32, #tpu.memory_space<vmem>>, vector<1x16xf32>,
      %get3A_377 = vector.shape_cast %get3A_376 : vector<1x16xf32> to vector<16xf32>
      %sub3A_378 = arith.subf %get3A_371, %get3A_377 : vector<16xf32>
      %mul3A_379 = arith.mulf %get3A_325, %sub3A_378 : vector<16xf32>
      %mul3A_380 = arith.mulf %mul3A_379, %sub3A_378 : vector<16xf32>
      %add3A_381 = arith.addf %add3A_316, %mul3A_380 : vector<16xf32>
      %get3A_382 = arith.index_cast %scan3A_318 : i32 to index
      %get3A_383 = arith.constant 64 : index
      %get3A_384 = tpu.vector_load %arg11[%get3A_382, %get3A_383] {strides = array<i32>} : memref<128x128xf32, #tpu.memory_space<vmem>>, vector<1x16xf32>,
      %get3A_385 = vector.shape_cast %get3A_384 : vector<1x16xf32> to vector<16xf32>
      %add3A_386 = arith.constant 256 : i32
      %add3A_387 = arith.addi %add3A_386, %scan3A_318 : i32
      %get3A_388 = arith.index_cast %add3A_387 : i32 to index
      %get3A_389 = arith.constant 64 : index
      %get3A_390 = tpu.vector_load %arg10[%get3A_388, %get3A_389] {strides = array<i32>} : memref<512x128xf32, #tpu.memory_space<vmem>>, vector<1x16xf32>,
      %get3A_391 = vector.shape_cast %get3A_390 : vector<1x16xf32> to vector<16xf32>
      %sub3A_392 = arith.subf %get3A_385, %get3A_391 : vector<16xf32>
      %mul3A_393 = arith.mulf %get3A_325, %sub3A_392 : vector<16xf32>
      %mul3A_394 = arith.mulf %mul3A_393, %sub3A_392 : vector<16xf32>
      %add3A_395 = arith.addf %add3A_339, %mul3A_394 : vector<16xf32>
      %get3A_396 = arith.index_cast %scan3A_318 : i32 to index
      %get3A_397 = arith.constant 80 : index
      %get3A_398 = tpu.vector_load %arg11[%get3A_396, %get3A_397] {strides = array<i32>} : memref<128x128xf32, #tpu.memory_space<vmem>>, vector<1x16xf32>,
      %get3A_399 = vector.shape_cast %get3A_398 : vector<1x16xf32> to vector<16xf32>
      %add3A_400 = arith.constant 256 : i32
      %add3A_401 = arith.addi %add3A_400, %scan3A_318 : i32
      %get3A_402 = arith.index_cast %add3A_401 : i32 to index
      %get3A_403 = arith.constant 80 : index
      %get3A_404 = tpu.vector_load %arg10[%get3A_402, %get3A_403] {strides = array<i32>} : memref<512x128xf32, #tpu.memory_space<vmem>>, vector<1x16xf32>,
      %get3A_405 = vector.shape_cast %get3A_404 : vector<1x16xf32> to vector<16xf32>
      %sub3A_406 = arith.subf %get3A_399, %get3A_405 : vector<16xf32>
      %mul3A_407 = arith.mulf %get3A_325, %sub3A_406 : vector<16xf32>
      %mul3A_408 = arith.mulf %mul3A_407, %sub3A_406 : vector<16xf32>
      %add3A_409 = arith.addf %add3A_353, %mul3A_408 : vector<16xf32>
      %get3A_410 = arith.index_cast %scan3A_318 : i32 to index
      %get3A_411 = arith.constant 96 : index
      %get3A_412 = tpu.vector_load %arg11[%get3A_410, %get3A_411] {strides = array<i32>} : memref<128x128xf32, #tpu.memory_space<vmem>>, vector<1x16xf32>,
      %get3A_413 = vector.shape_cast %get3A_412 : vector<1x16xf32> to vector<16xf32>
      %add3A_414 = arith.constant 256 : i32
      %add3A_415 = arith.addi %add3A_414, %scan3A_318 : i32
      %get3A_416 = arith.index_cast %add3A_415 : i32 to index
      %get3A_417 = arith.constant 96 : index
      %get3A_418 = tpu.vector_load %arg10[%get3A_416, %get3A_417] {strides = array<i32>} : memref<512x128xf32, #tpu.memory_space<vmem>>, vector<1x16xf32>,
      %get3A_419 = vector.shape_cast %get3A_418 : vector<1x16xf32> to vector<16xf32>
      %sub3A_420 = arith.subf %get3A_413, %get3A_419 : vector<16xf32>
      %mul3A_421 = arith.mulf %get3A_325, %sub3A_420 : vector<16xf32>
      %mul3A_422 = arith.mulf %mul3A_421, %sub3A_420 : vector<16xf32>
      %add3A_423 = arith.addf %add3A_367, %mul3A_422 : vector<16xf32>
      %get3A_424 = arith.index_cast %scan3A_318 : i32 to index
      %get3A_425 = arith.constant 112 : index
      %get3A_426 = tpu.vector_load %arg11[%get3A_424, %get3A_425] {strides = array<i32>} : memref<128x128xf32, #tpu.memory_space<vmem>>, vector<1x16xf32>,
      %get3A_427 = vector.shape_cast %get3A_426 : vector<1x16xf32> to vector<16xf32>
      %add3A_428 = arith.constant 256 : i32
      %add3A_429 = arith.addi %add3A_428, %scan3A_318 : i32
      %get3A_430 = arith.index_cast %add3A_429 : i32 to index
      %get3A_431 = arith.constant 112 : index
      %get3A_432 = tpu.vector_load %arg10[%get3A_430, %get3A_431] {strides = array<i32>} : memref<512x128xf32, #tpu.memory_space<vmem>>, vector<1x16xf32>,
      %get3A_433 = vector.shape_cast %get3A_432 : vector<1x16xf32> to vector<16xf32>
      %sub3A_434 = arith.subf %get3A_427, %get3A_433 : vector<16xf32>
      %mul3A_435 = arith.mulf %get3A_325, %sub3A_434 : vector<16xf32>
      %mul3A_436 = arith.mulf %mul3A_435, %sub3A_434 : vector<16xf32>
      %add3A_437 = arith.addf %add3A_381, %mul3A_436 : vector<16xf32>
      scf.yield %add3A_395, %add3A_409, %add3A_423, %add3A_437 : vector<16xf32>, vector<16xf32>, vector<16xf32>, vector<16xf32>
    }
    %scan3A_170 = arith.constant 128 : i32
    %dma_wait3A_171 = arith.constant 384 : i32
    %dma_wait3A_172 = arith.constant 0 : i32
    %dma_wait3A_173 = tpu.memref_slice %arg10[%dma_wait3A_171, %dma_wait3A_172] : memref<512x128xf32, #tpu.memory_space<vmem>> -> memref<128x128xf32, #tpu.memory_space<vmem>>
    %dma_wait3A_174 = arith.constant 384 : i32
    %dma_wait3A_175 = tpu.memref_slice %arg7[%dma_wait3A_174] : memref<512xi32, #tpu.memory_space<vmem>> -> memref<128xi32, #tpu.memory_space<vmem>>
    %dma_wait3A_176 = arith.constant 0 : i32
    %dma_wait3A_177 = arith.constant 0 : i32
    %dma_wait3A_178 = tpu.memref_slice %arg4[%dma_wait3A_176, %dma_wait3A_177] : memref<1000x128xf32, #tpu.memory_space<hbm>> -> memref<1000x128xf32, #tpu.memory_space<hbm>>
    tpu.wait_indirect_dma semaphore(%arg18 : memref<!tpu.dma_semaphore, #tpu.memory_space<semaphore_mem>>) src(%dma_wait3A_178 : memref<1000x128xf32, #tpu.memory_space<hbm>>) dst(%dma_wait3A_173 : memref<128x128xf32, #tpu.memory_space<vmem>>)
    %dma_wait3A_179 = arith.constant 0 : i32
    %dma_wait3A_180 = tpu.memref_slice %arg2[%add3A_148, %dma_wait3A_179] : memref<16384x128xf32, #tpu.memory_space<hbm>> -> memref<128x128xf32, #tpu.memory_space<hbm>>
    %dma_wait3A_181 = arith.constant 0 : i32
    %dma_wait3A_182 = tpu.memref_slice %arg2[%add3A_148, %dma_wait3A_181] : memref<16384x128xf32, #tpu.memory_space<hbm>> -> memref<128x128xf32, #tpu.memory_space<hbm>>
    tpu.wait_dma2 semaphore(%arg20 : memref<!tpu.dma_semaphore, #tpu.memory_space<semaphore_mem>>) src(%dma_wait3A_182 : memref<128x128xf32, #tpu.memory_space<hbm>>) dst(%arg12 : memref<128x128xf32, #tpu.memory_space<vmem>>)
    %scan3A_183 = arith.constant 0 : i32
    %scan3A_184 = arith.constant 128 : i32
    %scan3A_185 = arith.addi %scan3A_183, %scan3A_184 : i32
    %scan3A_186 = arith.constant 2 : i32
    %scan3A_187:4 = scf.for %scan3A_195 = %scan3A_183 to %scan3A_185 step %scan3A_186 iter_args(%scan3A_196 = %scan3A_169#0, %scan3A_197 = %scan3A_169#1, %scan3A_198 = %scan3A_169#2, %scan3A_199 = %scan3A_169#3) -> (vector<16xf32>, vector<16xf32>, vector<16xf32>, vector<16xf32>)  : i32 {
      %add3A_200 = arith.constant 384 : i32
      %add3A_201 = arith.addi %add3A_200, %scan3A_195 : i32
      %mul3A_202 = arith.constant 16 : i32
      %mul3A_203 = arith.muli %add3A_201, %mul3A_202 : i32
      %get3A = arith.index_cast %mul3A_203 : i32 to index
      %get3A_204 = tpu.vector_load %arg9[%get3A] {strides = array<i32>} : memref<8192xf32, #tpu.memory_space<vmem>>, vector<16xf32>,
      %get3A_205 = vector.shape_cast %get3A_204 : vector<16xf32> to vector<16xf32>
      %get3A_206 = arith.index_cast %scan3A_195 : i32 to index
      %get3A_207 = arith.constant 0 : index
      %get3A_208 = tpu.vector_load %arg12[%get3A_206, %get3A_207] {strides = array<i32>} : memref<128x128xf32, #tpu.memory_space<vmem>>, vector<1x16xf32>,
      %get3A_209 = vector.shape_cast %get3A_208 : vector<1x16xf32> to vector<16xf32>
      %add3A_210 = arith.constant 384 : i32
      %add3A_211 = arith.addi %add3A_210, %scan3A_195 : i32
      %get3A_212 = arith.index_cast %add3A_211 : i32 to index
      %get3A_213 = arith.constant 0 : index
      %get3A_214 = tpu.vector_load %arg10[%get3A_212, %get3A_213] {strides = array<i32>} : memref<512x128xf32, #tpu.memory_space<vmem>>, vector<1x16xf32>,
      %get3A_215 = vector.shape_cast %get3A_214 : vector<1x16xf32> to vector<16xf32>
      %sub3A = arith.subf %get3A_209, %get3A_215 : vector<16xf32>
      %mul3A_216 = arith.mulf %get3A_205, %sub3A : vector<16xf32>
      %mul3A_217 = arith.mulf %mul3A_216, %sub3A : vector<16xf32>
      %add3A_218 = arith.addf %scan3A_196, %mul3A_217 : vector<16xf32>
      %get3A_219 = arith.index_cast %scan3A_195 : i32 to index
      %get3A_220 = arith.constant 16 : index
      %get3A_221 = tpu.vector_load %arg12[%get3A_219, %get3A_220] {strides = array<i32>} : memref<128x128xf32, #tpu.memory_space<vmem>>, vector<1x16xf32>,
      %get3A_222 = vector.shape_cast %get3A_221 : vector<1x16xf32> to vector<16xf32>
      %add3A_223 = arith.constant 384 : i32
      %add3A_224 = arith.addi %add3A_223, %scan3A_195 : i32
      %get3A_225 = arith.index_cast %add3A_224 : i32 to index
      %get3A_226 = arith.constant 16 : index
      %get3A_227 = tpu.vector_load %arg10[%get3A_225, %get3A_226] {strides = array<i32>} : memref<512x128xf32, #tpu.memory_space<vmem>>, vector<1x16xf32>,
      %get3A_228 = vector.shape_cast %get3A_227 : vector<1x16xf32> to vector<16xf32>
      %sub3A_229 = arith.subf %get3A_222, %get3A_228 : vector<16xf32>
      %mul3A_230 = arith.mulf %get3A_205, %sub3A_229 : vector<16xf32>
      %mul3A_231 = arith.mulf %mul3A_230, %sub3A_229 : vector<16xf32>
      %add3A_232 = arith.addf %scan3A_197, %mul3A_231 : vector<16xf32>
      %get3A_233 = arith.index_cast %scan3A_195 : i32 to index
      %get3A_234 = arith.constant 32 : index
      %get3A_235 = tpu.vector_load %arg12[%get3A_233, %get3A_234] {strides = array<i32>} : memref<128x128xf32, #tpu.memory_space<vmem>>, vector<1x16xf32>,
      %get3A_236 = vector.shape_cast %get3A_235 : vector<1x16xf32> to vector<16xf32>
      %add3A_237 = arith.constant 384 : i32
      %add3A_238 = arith.addi %add3A_237, %scan3A_195 : i32
      %get3A_239 = arith.index_cast %add3A_238 : i32 to index
      %get3A_240 = arith.constant 32 : index
      %get3A_241 = tpu.vector_load %arg10[%get3A_239, %get3A_240] {strides = array<i32>} : memref<512x128xf32, #tpu.memory_space<vmem>>, vector<1x16xf32>,
      %get3A_242 = vector.shape_cast %get3A_241 : vector<1x16xf32> to vector<16xf32>
      %sub3A_243 = arith.subf %get3A_236, %get3A_242 : vector<16xf32>
      %mul3A_244 = arith.mulf %get3A_205, %sub3A_243 : vector<16xf32>
      %mul3A_245 = arith.mulf %mul3A_244, %sub3A_243 : vector<16xf32>
      %add3A_246 = arith.addf %scan3A_198, %mul3A_245 : vector<16xf32>
      %get3A_247 = arith.index_cast %scan3A_195 : i32 to index
      %get3A_248 = arith.constant 48 : index
      %get3A_249 = tpu.vector_load %arg12[%get3A_247, %get3A_248] {strides = array<i32>} : memref<128x128xf32, #tpu.memory_space<vmem>>, vector<1x16xf32>,
      %get3A_250 = vector.shape_cast %get3A_249 : vector<1x16xf32> to vector<16xf32>
      %add3A_251 = arith.constant 384 : i32
      %add3A_252 = arith.addi %add3A_251, %scan3A_195 : i32
      %get3A_253 = arith.index_cast %add3A_252 : i32 to index
      %get3A_254 = arith.constant 48 : index
      %get3A_255 = tpu.vector_load %arg10[%get3A_253, %get3A_254] {strides = array<i32>} : memref<512x128xf32, #tpu.memory_space<vmem>>, vector<1x16xf32>,
      %get3A_256 = vector.shape_cast %get3A_255 : vector<1x16xf32> to vector<16xf32>
      %sub3A_257 = arith.subf %get3A_250, %get3A_256 : vector<16xf32>
      %mul3A_258 = arith.mulf %get3A_205, %sub3A_257 : vector<16xf32>
      %mul3A_259 = arith.mulf %mul3A_258, %sub3A_257 : vector<16xf32>
      %add3A_260 = arith.addf %scan3A_199, %mul3A_259 : vector<16xf32>
      %get3A_261 = arith.index_cast %scan3A_195 : i32 to index
      %get3A_262 = arith.constant 64 : index
      %get3A_263 = tpu.vector_load %arg12[%get3A_261, %get3A_262] {strides = array<i32>} : memref<128x128xf32, #tpu.memory_space<vmem>>, vector<1x16xf32>,
      %get3A_264 = vector.shape_cast %get3A_263 : vector<1x16xf32> to vector<16xf32>
      %add3A_265 = arith.constant 384 : i32
      %add3A_266 = arith.addi %add3A_265, %scan3A_195 : i32
      %get3A_267 = arith.index_cast %add3A_266 : i32 to index
      %get3A_268 = arith.constant 64 : index
      %get3A_269 = tpu.vector_load %arg10[%get3A_267, %get3A_268] {strides = array<i32>} : memref<512x128xf32, #tpu.memory_space<vmem>>, vector<1x16xf32>,
      %get3A_270 = vector.shape_cast %get3A_269 : vector<1x16xf32> to vector<16xf32>
      %sub3A_271 = arith.subf %get3A_264, %get3A_270 : vector<16xf32>
      %mul3A_272 = arith.mulf %get3A_205, %sub3A_271 : vector<16xf32>
      %mul3A_273 = arith.mulf %mul3A_272, %sub3A_271 : vector<16xf32>
      %add3A_274 = arith.addf %add3A_218, %mul3A_273 : vector<16xf32>
      %get3A_275 = arith.index_cast %scan3A_195 : i32 to index
      %get3A_276 = arith.constant 80 : index
      %get3A_277 = tpu.vector_load %arg12[%get3A_275, %get3A_276] {strides = array<i32>} : memref<128x128xf32, #tpu.memory_space<vmem>>, vector<1x16xf32>,
      %get3A_278 = vector.shape_cast %get3A_277 : vector<1x16xf32> to vector<16xf32>
      %add3A_279 = arith.constant 384 : i32
      %add3A_280 = arith.addi %add3A_279, %scan3A_195 : i32
      %get3A_281 = arith.index_cast %add3A_280 : i32 to index
      %get3A_282 = arith.constant 80 : index
      %get3A_283 = tpu.vector_load %arg10[%get3A_281, %get3A_282] {strides = array<i32>} : memref<512x128xf32, #tpu.memory_space<vmem>>, vector<1x16xf32>,
      %get3A_284 = vector.shape_cast %get3A_283 : vector<1x16xf32> to vector<16xf32>
      %sub3A_285 = arith.subf %get3A_278, %get3A_284 : vector<16xf32>
      %mul3A_286 = arith.mulf %get3A_205, %sub3A_285 : vector<16xf32>
      %mul3A_287 = arith.mulf %mul3A_286, %sub3A_285 : vector<16xf32>
      %add3A_288 = arith.addf %add3A_232, %mul3A_287 : vector<16xf32>
      %get3A_289 = arith.index_cast %scan3A_195 : i32 to index
      %get3A_290 = arith.constant 96 : index
      %get3A_291 = tpu.vector_load %arg12[%get3A_289, %get3A_290] {strides = array<i32>} : memref<128x128xf32, #tpu.memory_space<vmem>>, vector<1x16xf32>,
      %get3A_292 = vector.shape_cast %get3A_291 : vector<1x16xf32> to vector<16xf32>
      %add3A_293 = arith.constant 384 : i32
      %add3A_294 = arith.addi %add3A_293, %scan3A_195 : i32
      %get3A_295 = arith.index_cast %add3A_294 : i32 to index
      %get3A_296 = arith.constant 96 : index
      %get3A_297 = tpu.vector_load %arg10[%get3A_295, %get3A_296] {strides = array<i32>} : memref<512x128xf32, #tpu.memory_space<vmem>>, vector<1x16xf32>,
      %get3A_298 = vector.shape_cast %get3A_297 : vector<1x16xf32> to vector<16xf32>
      %sub3A_299 = arith.subf %get3A_292, %get3A_298 : vector<16xf32>
      %mul3A_300 = arith.mulf %get3A_205, %sub3A_299 : vector<16xf32>
      %mul3A_301 = arith.mulf %mul3A_300, %sub3A_299 : vector<16xf32>
      %add3A_302 = arith.addf %add3A_246, %mul3A_301 : vector<16xf32>
      %get3A_303 = arith.index_cast %scan3A_195 : i32 to index
      %get3A_304 = arith.constant 112 : index
      %get3A_305 = tpu.vector_load %arg12[%get3A_303, %get3A_304] {strides = array<i32>} : memref<128x128xf32, #tpu.memory_space<vmem>>, vector<1x16xf32>,
      %get3A_306 = vector.shape_cast %get3A_305 : vector<1x16xf32> to vector<16xf32>
      %add3A_307 = arith.constant 384 : i32
      %add3A_308 = arith.addi %add3A_307, %scan3A_195 : i32
      %get3A_309 = arith.index_cast %add3A_308 : i32 to index
      %get3A_310 = arith.constant 112 : index
      %get3A_311 = tpu.vector_load %arg10[%get3A_309, %get3A_310] {strides = array<i32>} : memref<512x128xf32, #tpu.memory_space<vmem>>, vector<1x16xf32>,
      %get3A_312 = vector.shape_cast %get3A_311 : vector<1x16xf32> to vector<16xf32>
      %sub3A_313 = arith.subf %get3A_306, %get3A_312 : vector<16xf32>
      %mul3A_314 = arith.mulf %get3A_205, %sub3A_313 : vector<16xf32>
      %mul3A_315 = arith.mulf %mul3A_314, %sub3A_313 : vector<16xf32>
      %add3A_316 = arith.addf %add3A_260, %mul3A_315 : vector<16xf32>
      %scan3A_317 = arith.constant 1 : i32
      %scan3A_318 = arith.addi %scan3A_195, %scan3A_317 : i32
      %add3A_319 = arith.constant 384 : i32
      %add3A_320 = arith.addi %add3A_319, %scan3A_318 : i32
      %mul3A_321 = arith.constant 16 : i32
      %mul3A_322 = arith.muli %add3A_320, %mul3A_321 : i32
      %get3A_323 = arith.index_cast %mul3A_322 : i32 to index
      %get3A_324 = tpu.vector_load %arg9[%get3A_323] {strides = array<i32>} : memref<8192xf32, #tpu.memory_space<vmem>>, vector<16xf32>,
      %get3A_325 = vector.shape_cast %get3A_324 : vector<16xf32> to vector<16xf32>
      %get3A_326 = arith.index_cast %scan3A_318 : i32 to index
      %get3A_327 = arith.constant 0 : index
      %get3A_328 = tpu.vector_load %arg12[%get3A_326, %get3A_327] {strides = array<i32>} : memref<128x128xf32, #tpu.memory_space<vmem>>, vector<1x16xf32>,
      %get3A_329 = vector.shape_cast %get3A_328 : vector<1x16xf32> to vector<16xf32>
      %add3A_330 = arith.constant 384 : i32
      %add3A_331 = arith.addi %add3A_330, %scan3A_318 : i32
      %get3A_332 = arith.index_cast %add3A_331 : i32 to index
      %get3A_333 = arith.constant 0 : index
      %get3A_334 = tpu.vector_load %arg10[%get3A_332, %get3A_333] {strides = array<i32>} : memref<512x128xf32, #tpu.memory_space<vmem>>, vector<1x16xf32>,
      %get3A_335 = vector.shape_cast %get3A_334 : vector<1x16xf32> to vector<16xf32>
      %sub3A_336 = arith.subf %get3A_329, %get3A_335 : vector<16xf32>
      %mul3A_337 = arith.mulf %get3A_325, %sub3A_336 : vector<16xf32>
      %mul3A_338 = arith.mulf %mul3A_337, %sub3A_336 : vector<16xf32>
      %add3A_339 = arith.addf %add3A_274, %mul3A_338 : vector<16xf32>
      %get3A_340 = arith.index_cast %scan3A_318 : i32 to index
      %get3A_341 = arith.constant 16 : index
      %get3A_342 = tpu.vector_load %arg12[%get3A_340, %get3A_341] {strides = array<i32>} : memref<128x128xf32, #tpu.memory_space<vmem>>, vector<1x16xf32>,
      %get3A_343 = vector.shape_cast %get3A_342 : vector<1x16xf32> to vector<16xf32>
      %add3A_344 = arith.constant 384 : i32
      %add3A_345 = arith.addi %add3A_344, %scan3A_318 : i32
      %get3A_346 = arith.index_cast %add3A_345 : i32 to index
      %get3A_347 = arith.constant 16 : index
      %get3A_348 = tpu.vector_load %arg10[%get3A_346, %get3A_347] {strides = array<i32>} : memref<512x128xf32, #tpu.memory_space<vmem>>, vector<1x16xf32>,
      %get3A_349 = vector.shape_cast %get3A_348 : vector<1x16xf32> to vector<16xf32>
      %sub3A_350 = arith.subf %get3A_343, %get3A_349 : vector<16xf32>
      %mul3A_351 = arith.mulf %get3A_325, %sub3A_350 : vector<16xf32>
      %mul3A_352 = arith.mulf %mul3A_351, %sub3A_350 : vector<16xf32>
      %add3A_353 = arith.addf %add3A_288, %mul3A_352 : vector<16xf32>
      %get3A_354 = arith.index_cast %scan3A_318 : i32 to index
      %get3A_355 = arith.constant 32 : index
      %get3A_356 = tpu.vector_load %arg12[%get3A_354, %get3A_355] {strides = array<i32>} : memref<128x128xf32, #tpu.memory_space<vmem>>, vector<1x16xf32>,
      %get3A_357 = vector.shape_cast %get3A_356 : vector<1x16xf32> to vector<16xf32>
      %add3A_358 = arith.constant 384 : i32
      %add3A_359 = arith.addi %add3A_358, %scan3A_318 : i32
      %get3A_360 = arith.index_cast %add3A_359 : i32 to index
      %get3A_361 = arith.constant 32 : index
      %get3A_362 = tpu.vector_load %arg10[%get3A_360, %get3A_361] {strides = array<i32>} : memref<512x128xf32, #tpu.memory_space<vmem>>, vector<1x16xf32>,
      %get3A_363 = vector.shape_cast %get3A_362 : vector<1x16xf32> to vector<16xf32>
      %sub3A_364 = arith.subf %get3A_357, %get3A_363 : vector<16xf32>
      %mul3A_365 = arith.mulf %get3A_325, %sub3A_364 : vector<16xf32>
      %mul3A_366 = arith.mulf %mul3A_365, %sub3A_364 : vector<16xf32>
      %add3A_367 = arith.addf %add3A_302, %mul3A_366 : vector<16xf32>
      %get3A_368 = arith.index_cast %scan3A_318 : i32 to index
      %get3A_369 = arith.constant 48 : index
      %get3A_370 = tpu.vector_load %arg12[%get3A_368, %get3A_369] {strides = array<i32>} : memref<128x128xf32, #tpu.memory_space<vmem>>, vector<1x16xf32>,
      %get3A_371 = vector.shape_cast %get3A_370 : vector<1x16xf32> to vector<16xf32>
      %add3A_372 = arith.constant 384 : i32
      %add3A_373 = arith.addi %add3A_372, %scan3A_318 : i32
      %get3A_374 = arith.index_cast %add3A_373 : i32 to index
      %get3A_375 = arith.constant 48 : index
      %get3A_376 = tpu.vector_load %arg10[%get3A_374, %get3A_375] {strides = array<i32>} : memref<512x128xf32, #tpu.memory_space<vmem>>, vector<1x16xf32>,
      %get3A_377 = vector.shape_cast %get3A_376 : vector<1x16xf32> to vector<16xf32>
      %sub3A_378 = arith.subf %get3A_371, %get3A_377 : vector<16xf32>
      %mul3A_379 = arith.mulf %get3A_325, %sub3A_378 : vector<16xf32>
      %mul3A_380 = arith.mulf %mul3A_379, %sub3A_378 : vector<16xf32>
      %add3A_381 = arith.addf %add3A_316, %mul3A_380 : vector<16xf32>
      %get3A_382 = arith.index_cast %scan3A_318 : i32 to index
      %get3A_383 = arith.constant 64 : index
      %get3A_384 = tpu.vector_load %arg12[%get3A_382, %get3A_383] {strides = array<i32>} : memref<128x128xf32, #tpu.memory_space<vmem>>, vector<1x16xf32>,
      %get3A_385 = vector.shape_cast %get3A_384 : vector<1x16xf32> to vector<16xf32>
      %add3A_386 = arith.constant 384 : i32
      %add3A_387 = arith.addi %add3A_386, %scan3A_318 : i32
      %get3A_388 = arith.index_cast %add3A_387 : i32 to index
      %get3A_389 = arith.constant 64 : index
      %get3A_390 = tpu.vector_load %arg10[%get3A_388, %get3A_389] {strides = array<i32>} : memref<512x128xf32, #tpu.memory_space<vmem>>, vector<1x16xf32>,
      %get3A_391 = vector.shape_cast %get3A_390 : vector<1x16xf32> to vector<16xf32>
      %sub3A_392 = arith.subf %get3A_385, %get3A_391 : vector<16xf32>
      %mul3A_393 = arith.mulf %get3A_325, %sub3A_392 : vector<16xf32>
      %mul3A_394 = arith.mulf %mul3A_393, %sub3A_392 : vector<16xf32>
      %add3A_395 = arith.addf %add3A_339, %mul3A_394 : vector<16xf32>
      %get3A_396 = arith.index_cast %scan3A_318 : i32 to index
      %get3A_397 = arith.constant 80 : index
      %get3A_398 = tpu.vector_load %arg12[%get3A_396, %get3A_397] {strides = array<i32>} : memref<128x128xf32, #tpu.memory_space<vmem>>, vector<1x16xf32>,
      %get3A_399 = vector.shape_cast %get3A_398 : vector<1x16xf32> to vector<16xf32>
      %add3A_400 = arith.constant 384 : i32
      %add3A_401 = arith.addi %add3A_400, %scan3A_318 : i32
      %get3A_402 = arith.index_cast %add3A_401 : i32 to index
      %get3A_403 = arith.constant 80 : index
      %get3A_404 = tpu.vector_load %arg10[%get3A_402, %get3A_403] {strides = array<i32>} : memref<512x128xf32, #tpu.memory_space<vmem>>, vector<1x16xf32>,
      %get3A_405 = vector.shape_cast %get3A_404 : vector<1x16xf32> to vector<16xf32>
      %sub3A_406 = arith.subf %get3A_399, %get3A_405 : vector<16xf32>
      %mul3A_407 = arith.mulf %get3A_325, %sub3A_406 : vector<16xf32>
      %mul3A_408 = arith.mulf %mul3A_407, %sub3A_406 : vector<16xf32>
      %add3A_409 = arith.addf %add3A_353, %mul3A_408 : vector<16xf32>
      %get3A_410 = arith.index_cast %scan3A_318 : i32 to index
      %get3A_411 = arith.constant 96 : index
      %get3A_412 = tpu.vector_load %arg12[%get3A_410, %get3A_411] {strides = array<i32>} : memref<128x128xf32, #tpu.memory_space<vmem>>, vector<1x16xf32>,
      %get3A_413 = vector.shape_cast %get3A_412 : vector<1x16xf32> to vector<16xf32>
      %add3A_414 = arith.constant 384 : i32
      %add3A_415 = arith.addi %add3A_414, %scan3A_318 : i32
      %get3A_416 = arith.index_cast %add3A_415 : i32 to index
      %get3A_417 = arith.constant 96 : index
      %get3A_418 = tpu.vector_load %arg10[%get3A_416, %get3A_417] {strides = array<i32>} : memref<512x128xf32, #tpu.memory_space<vmem>>, vector<1x16xf32>,
      %get3A_419 = vector.shape_cast %get3A_418 : vector<1x16xf32> to vector<16xf32>
      %sub3A_420 = arith.subf %get3A_413, %get3A_419 : vector<16xf32>
      %mul3A_421 = arith.mulf %get3A_325, %sub3A_420 : vector<16xf32>
      %mul3A_422 = arith.mulf %mul3A_421, %sub3A_420 : vector<16xf32>
      %add3A_423 = arith.addf %add3A_367, %mul3A_422 : vector<16xf32>
      %get3A_424 = arith.index_cast %scan3A_318 : i32 to index
      %get3A_425 = arith.constant 112 : index
      %get3A_426 = tpu.vector_load %arg12[%get3A_424, %get3A_425] {strides = array<i32>} : memref<128x128xf32, #tpu.memory_space<vmem>>, vector<1x16xf32>,
      %get3A_427 = vector.shape_cast %get3A_426 : vector<1x16xf32> to vector<16xf32>
      %add3A_428 = arith.constant 384 : i32
      %add3A_429 = arith.addi %add3A_428, %scan3A_318 : i32
      %get3A_430 = arith.index_cast %add3A_429 : i32 to index
      %get3A_431 = arith.constant 112 : index
      %get3A_432 = tpu.vector_load %arg10[%get3A_430, %get3A_431] {strides = array<i32>} : memref<512x128xf32, #tpu.memory_space<vmem>>, vector<1x16xf32>,
      %get3A_433 = vector.shape_cast %get3A_432 : vector<1x16xf32> to vector<16xf32>
      %sub3A_434 = arith.subf %get3A_427, %get3A_433 : vector<16xf32>
      %mul3A_435 = arith.mulf %get3A_325, %sub3A_434 : vector<16xf32>
      %mul3A_436 = arith.mulf %mul3A_435, %sub3A_434 : vector<16xf32>
      %add3A_437 = arith.addf %add3A_381, %mul3A_436 : vector<16xf32>
      scf.yield %add3A_395, %add3A_409, %add3A_423, %add3A_437 : vector<16xf32>, vector<16xf32>, vector<16xf32>, vector<16xf32>
    }
    %scan3A_188 = arith.constant 128 : i32
    %add3A_189 = arith.addf %scan3A_187#0, %scan3A_187#1 : vector<16xf32>
    %add3A_190 = arith.addf %scan3A_187#2, %scan3A_187#3 : vector<16xf32>
    %add3A_191 = arith.addf %add3A_189, %add3A_190 : vector<16xf32>
    %swap3A = arith.constant 0 : index
    %swap3A_192 = tpu.vector_load %arg13[%swap3A] {strides = array<i32>} : memref<16xf32, #tpu.memory_space<vmem>>, vector<16xf32>,
    %swap3A_193 = vector.shape_cast %swap3A_192 : vector<16xf32> to vector<16xf32>
    %swap3A_194 = vector.shape_cast %add3A_191 : vector<16xf32> to vector<16xf32>
    tpu.vector_store %arg13[%swap3A], %swap3A_194 {strides = array<i32>} : memref<16xf32, #tpu.memory_space<vmem>>, vector<16xf32>,
    "tpu.region"() ({
      %run_scoped3A = tpu.sem_alloc : memref<!tpu.dma_semaphore, #tpu.memory_space<semaphore_mem>>
      %dma_start3A_195 = arith.constant 0 : i32
      %dma_start3A_196 = tpu.memref_slice %arg6[%add3A, %dma_start3A_195] : memref<32x16xf32, #tpu.memory_space<hbm>> -> memref<1x16xf32, #tpu.memory_space<hbm>>
      %dma_start3A_197 = tpu.memref_squeeze %dma_start3A_196 : memref<1x16xf32, #tpu.memory_space<hbm>> -> memref<16xf32, #tpu.memory_space<hbm>>
      %dma_start3A_198 = arith.constant 0 : i32
      %dma_start3A_199 = tpu.memref_slice %arg6[%add3A, %dma_start3A_198] : memref<32x16xf32, #tpu.memory_space<hbm>> -> memref<1x16xf32, #tpu.memory_space<hbm>>
      %dma_start3A_200 = tpu.memref_squeeze %dma_start3A_199 : memref<1x16xf32, #tpu.memory_space<hbm>> -> memref<16xf32, #tpu.memory_space<hbm>>
      tpu.enqueue_dma source(%arg13 : memref<16xf32, #tpu.memory_space<vmem>>) target(%dma_start3A_200 : memref<16xf32, #tpu.memory_space<hbm>>) target_semaphore(%run_scoped3A : memref<!tpu.dma_semaphore, #tpu.memory_space<semaphore_mem>>)
      %dma_wait3A_201 = arith.constant 0 : i32
      %dma_wait3A_202 = tpu.memref_slice %arg6[%add3A, %dma_wait3A_201] : memref<32x16xf32, #tpu.memory_space<hbm>> -> memref<1x16xf32, #tpu.memory_space<hbm>>
      %dma_wait3A_203 = tpu.memref_squeeze %dma_wait3A_202 : memref<1x16xf32, #tpu.memory_space<hbm>> -> memref<16xf32, #tpu.memory_space<hbm>>
      %dma_wait3A_204 = arith.constant 0 : i32
      %dma_wait3A_205 = tpu.memref_slice %arg6[%add3A, %dma_wait3A_204] : memref<32x16xf32, #tpu.memory_space<hbm>> -> memref<1x16xf32, #tpu.memory_space<hbm>>
      %dma_wait3A_206 = tpu.memref_squeeze %dma_wait3A_205 : memref<1x16xf32, #tpu.memory_space<hbm>> -> memref<16xf32, #tpu.memory_space<hbm>>
      tpu.wait_dma2 semaphore(%run_scoped3A : memref<!tpu.dma_semaphore, #tpu.memory_space<semaphore_mem>>) src(%arg13 : memref<16xf32, #tpu.memory_space<vmem>>) dst(%dma_wait3A_206 : memref<16xf32, #tpu.memory_space<hbm>>)
      tpu.yield
    }) : () -> ()
    return
  }
}

module attributes {stable_mosaic.version = 14 : i64} {
  func.func @_combine_body(%arg0: memref<1000x128xf32, #tpu.memory_space<vmem>>, %arg1: memref<32x16xf32, #tpu.memory_space<vmem>>, %arg2: memref<1x1xf32, #tpu.memory_space<smem>>) attributes {dimension_semantics = [], scalar_prefetch = 0 : i64, scratch_operands = 0 : i64, tpu.core_type = #tpu.core_type<tc>} {
    %get3A = arith.constant 0 : index
    %get3A_0 = arith.constant 0 : index
    %get3A_1 = vector.load %arg0[%get3A, %get3A_0] : memref<1000x128xf32, #tpu.memory_space<vmem>>, vector<1000x128xf32>
    %mul3A = arith.mulf %get3A_1, %get3A_1 : vector<1000x128xf32>
    %reduce_sum3A = vector.shape_cast %mul3A : vector<1000x128xf32> to vector<1x1000x128xf32>
    %reduce_sum3A_2 = arith.constant dense<0.000000e+00> : vector<1xf32>
    %reduce_sum3A_3 = vector.multi_reduction <add>, %reduce_sum3A, %reduce_sum3A_2 [1, 2] : vector<1x1000x128xf32> to vector<1xf32>
    %reduce_sum3A_4 = vector.shape_cast %reduce_sum3A_3 : vector<1xf32> to vector<1x1x1xf32>
    %reduce_sum3A_5 = vector.extract %reduce_sum3A_4[0, 0, 0] : f32 from vector<1x1x1xf32>
    %reduce_sum3A_6 = arith.constant dense<0.000000e+00> : vector<128xf32>
    %reduce_sum3A_7 = vector.multi_reduction <add>, %get3A_1, %reduce_sum3A_6 [0] : vector<1000x128xf32> to vector<128xf32>
    %broadcast_in_dim3A = vector.shape_cast %reduce_sum3A_7 : vector<128xf32> to vector<1x128xf32>
    %mul3A_8 = arith.constant 1.000000e+03 : f32
    %mul3A_9 = arith.mulf %mul3A_8, %reduce_sum3A_5 : f32
    %mul3A_10 = arith.mulf %broadcast_in_dim3A, %broadcast_in_dim3A : vector<1x128xf32>
    %reduce_sum3A_11 = vector.shape_cast %mul3A_10 : vector<1x128xf32> to vector<1x1x128xf32>
    %reduce_sum3A_12 = arith.constant dense<0.000000e+00> : vector<1xf32>
    %reduce_sum3A_13 = vector.multi_reduction <add>, %reduce_sum3A_11, %reduce_sum3A_12 [1, 2] : vector<1x1x128xf32> to vector<1xf32>
    %reduce_sum3A_14 = vector.shape_cast %reduce_sum3A_13 : vector<1xf32> to vector<1x1x1xf32>
    %reduce_sum3A_15 = vector.extract %reduce_sum3A_14[0, 0, 0] : f32 from vector<1x1x1xf32>
    %sub3A = arith.subf %mul3A_9, %reduce_sum3A_15 : f32
    %get3A_16 = arith.constant 0 : index
    %get3A_17 = arith.constant 0 : index
    %get3A_18 = vector.load %arg1[%get3A_16, %get3A_17] : memref<32x16xf32, #tpu.memory_space<vmem>>, vector<32x16xf32>
    %reduce_sum3A_19 = vector.shape_cast %get3A_18 : vector<32x16xf32> to vector<1x32x16xf32>
    %reduce_sum3A_20 = arith.constant dense<0.000000e+00> : vector<1xf32>
    %reduce_sum3A_21 = vector.multi_reduction <add>, %reduce_sum3A_19, %reduce_sum3A_20 [1, 2] : vector<1x32x16xf32> to vector<1xf32>
    %reduce_sum3A_22 = vector.shape_cast %reduce_sum3A_21 : vector<1xf32> to vector<1x1x1xf32>
    %reduce_sum3A_23 = vector.extract %reduce_sum3A_22[0, 0, 0] : f32 from vector<1x1x1xf32>
    %mul3A_24 = arith.constant 5.000000e-01 : f32
    %mul3A_25 = arith.mulf %mul3A_24, %reduce_sum3A_23 : f32
    %div3A = arith.constant 1.638400e+04 : f32
    %div3A_26 = arith.divf %mul3A_25, %div3A : f32
    %mul3A_27 = arith.constant 1.000000e-01 : f32
    %mul3A_28 = arith.mulf %mul3A_27, %sub3A : f32
    %div3A_29 = arith.constant 1.000000e+06 : f32
    %div3A_30 = arith.divf %mul3A_28, %div3A_29 : f32
    %sub3A_31 = arith.subf %div3A_26, %div3A_30 : f32
    %swap3A = arith.constant 0 : index
    %swap3A_32 = arith.constant 0 : index
    %swap3A_33 = memref.load %arg2[%swap3A, %swap3A_32] : memref<1x1xf32, #tpu.memory_space<smem>>
    memref.store %sub3A_31, %arg2[%swap3A, %swap3A_32] : memref<1x1xf32, #tpu.memory_space<smem>>
    return
  }
}

</mosaic_0001>

<sc_bundles>
// kernel: kernel.4.cloned.1.call-start
scs
__scs_entry_jumppad:
0x0: {  	(pc) =	sbr.rel $0x88, $3  }
0x1: {  	(tag) =	ssettag $0x0;
	lr =	simm.s32 $0x1  }
0x2: {  	[smem:$0x3F9D] =	sst lr;
	_ =	strace $0xD0000000  }
0x3: {  	_ = 	snop  }
0x4: {  	_ = 	snop  }
0x5: {  	_ = 	snop  }
0x6: {  	_ = 	snop  }
0x7: {  	_ = 	snop  }
__scs_overlays_trampoline_lowered:
0x8: {  	[smem:$0x3FAC] =	sst s0  }
0x9: {  	[smem:$0x3FAD] =	sst s1  }
0xa: {  	[smem:$0x3FAE] =	sst s2  }
0xb: {  	[smem:$0x3FAF] =	sst s3  }
0xc: {  	[smem:$0x3FB0] =	sst s4  }
0xd: {  	[smem:$0x3FB1] =	sst s5  }
0xe: {  	[smem:$0x3FB2] =	sst s6  }
0xf: {  	[smem:$0x3FB3] =	sst s7  }
0x10: {  	[smem:$0x3FB4] =	sst s8  }
0x11: {  	[smem:$0x3FB5] =	sst s9;
	s0 =	simm.s32 @!p0 $0x0  }
0x12: {  	s1 =	sld [smem:$0x3F9B];
	s0 =	simm.s32 @p0 $0x1  }
0x13: {  	[smem:$0x3FB6] =	sst s0;
	s0 =	simm.s32 @!p1 $0x0  }
0x14: {  	s2 =	sld [smem:$0x3F9A];
	s0 =	simm.s32 @p1 $0x1  }
0x15: {  	[smem:$0x3FB7] =	sst s0;
	s0 =	simm.s32 @!p2 $0x0  }
0x16: {  	s3 =	sld [smem:$0x3FDB];
	s0 =	simm.s32 @p2 $0x1  }
0x17: {  	s4 =	simm.s32 $0x1BF5;
	[smem:$0x3FB9] =	sst s0  }
0x18: {  	s0 =	sld [smem:$0x3F9C];
	_ =	swait.ge [sflag:s4], $0x0  }
0x19: {  	s7 =	sld [smem:$0x3F9D]  }
0x1a: {  	s8 =	sadd.s32 $0xFFFFE003, lr  }
0x1b: {  	s9 =	sadd.s32 $0xFFFFFEF7, lr;
	s5 =	simm.s32 $0xFFFFFFFF;
	p2 =	slt.u32 s8, $0xFFFFF086  }
0x1c: {  	p1 =	slt.u32 s9, $0xF7A;
	s5 =	simm.s32 @!p2 $0x0  }
0x1d: {  	s5 =	simm.s32 @p1 $0x1;
	p0 =	seq.s32 s7, s2  }
0x1e: {  	s7 =	smul.u32 @!p0 $0xF7A, s2;
	p2 =	seq.s32 @!p0 s5, $0x0  }
0x1f: {  	s9 =	smul.u32 $0xF7A, s1;
	s8 =	simm.s32 @!p0 $0x1BF5;
	p2 =	por !p2, p0  }
0x20: {  	[sflag:s8] =	ssyncset.s32 @!p0 $0xFFFFF086;
	s6 =	sadd.s32 @!p0 s3, s7;
	s7 =	simm.s32 @!p0 $0x108  }
0x21: {  	s3 =	sadd.s32 s3, s9;
	s6 =	sadd.s32 @!p0 $0x88, s6;
	s7 =	simm.s32 @p2 $0x1082  }
0x22: {  	[simem:s7], [sflag:s8] =	dma.local @!p0 [hbm:s6], $0xF7A  }
0x23: {  	s9 =	sor.u32 $0xD0000000, s2;
	s6 =	simm.s32 $0x108;
	_ =	swait.ge @!p0 [sflag:s8], $0x0  }
0x24: {  	s3 =	sadd.s32 $0x88, s3;
	s6 =	simm.s32 @!p1 $0x1082;
	[sflag:s4] =	ssyncset.s32 $0xFFFFF086  }
0x25: {  	[simem:s6], [sflag:s4] =	dma.local [hbm:s3], $0xF7A  }
0x26: {  	[smem:$0x3F9D] =	sst s1;
	(tag) =	ssettag s2;
	_ =	strace s9  }
0x27: {  	s1 =	sld [smem:$0x3FAD]  }
0x28: {  	s2 =	sld [smem:$0x3FAE]  }
0x29: {  	s4 =	sld [smem:$0x3FB0]  }
0x2a: {  	p0 =	seq.s32 s5, $0x0;
	s5 =	sld [smem:$0x3FB1]  }
0x2b: {  	s6 =	sld [smem:$0x3FB2]  }
0x2c: {  	s7 =	sld [smem:$0x3FB3]  }
0x2d: {  	s3 =	simm.s32 $0x108;
	s8 =	sld [smem:$0x3FB4]  }
0x2e: {  	s3 =	simm.s32 @!p0 $0x1082;
	s9 =	sld [smem:$0x3FB5]  }
0x2f: {  	lr =	sadd.s32 s0, s3;
	s0 =	sld [smem:$0x3FAC]  }
0x30: {  	s3 =	sld [smem:$0x3FAF]  }
0x31: {  	[smem:$0x3FB8] =	sst s10  }
0x32: {  	s10 =	sld [smem:$0x3FB6];
	_ =	sdelay $0x3  }
0x33: {  	p0 =	seq.s32 s10, $0x1;
	s10 =	sld [smem:$0x3FB8];
	_ =	sdelay $0x3  }
0x34: {  	[smem:$0x3FB8] =	sst s10  }
0x35: {  	s10 =	sld [smem:$0x3FB7];
	_ =	sdelay $0x3  }
0x36: {  	p1 =	seq.s32 s10, $0x1;
	s10 =	sld [smem:$0x3FB8];
	_ =	sdelay $0x3  }
0x37: {  	[smem:$0x3FB8] =	sst s10  }
0x38: {  	s10 =	sld [smem:$0x3FB9]  }
0x39: {  	_ = 	snop;
	(pc) =	sbr.ind lr, $3  }
0x3a: {  	_ = 	snop  }
0x3b: {  	_ = 	snop  }
0x3c: {  	p2 =	seq.s32 s10, $0x1;
	s10 =	sld [smem:$0x3FB8]  }
0x3d: {  	_ =	shalt  }
0x3e: {  	_ =	shalt  }
0x3f: {  	_ =	shalt  }
0x40: {  	_ =	shalt  }
0x41: {  	_ =	shalt  }
0x42: {  	_ =	shalt  }
0x43: {  	_ =	shalt  }
0x44: {  	_ =	shalt  }
0x45: {  	_ =	shalt  }
0x46: {  	_ =	shalt  }
0x47: {  	_ =	shalt  }
0x48: {  	_ =	shalt  }
0x49: {  	_ =	shalt  }
0x4a: {  	_ =	shalt  }
0x4b: {  	_ =	shalt  }
0x4c: {  	_ =	shalt  }
0x4d: {  	_ =	shalt  }
0x4e: {  	_ =	shalt  }
0x4f: {  	_ =	shalt  }
0x50: {  	_ =	shalt  }
0x51: {  	_ =	shalt  }
0x52: {  	_ =	shalt  }
0x53: {  	_ =	shalt  }
0x54: {  	_ =	shalt  }
0x55: {  	_ =	shalt  }
0x56: {  	_ =	shalt  }
0x57: {  	_ =	shalt  }
0x58: {  	_ =	shalt  }
0x59: {  	_ =	shalt  }
0x5a: {  	_ =	shalt  }
0x5b: {  	_ =	shalt  }
0x5c: {  	_ =	shalt  }
0x5d: {  	_ =	shalt  }
0x5e: {  	_ =	shalt  }
0x5f: {  	_ =	shalt  }
0x60: {  	_ =	shalt  }
0x61: {  	_ =	shalt  }
0x62: {  	_ =	shalt  }
0x63: {  	_ =	shalt  }
0x64: {  	_ =	shalt  }
0x65: {  	_ =	shalt  }
0x66: {  	_ =	shalt  }
0x67: {  	_ =	shalt  }
0x68: {  	_ =	shalt  }
0x69: {  	_ =	shalt  }
0x6a: {  	_ =	shalt  }
0x6b: {  	_ =	shalt  }
0x6c: {  	_ =	shalt  }
0x6d: {  	_ =	shalt  }
0x6e: {  	_ =	shalt  }
0x6f: {  	_ =	shalt  }
0x70: {  	_ =	shalt  }
0x71: {  	_ =	shalt  }
0x72: {  	_ =	shalt  }
0x73: {  	_ =	shalt  }
0x74: {  	_ =	shalt  }
0x75: {  	_ =	shalt  }
0x76: {  	_ =	shalt  }
0x77: {  	_ =	shalt  }
0x78: {  	_ =	shalt  }
0x79: {  	_ =	shalt  }
0x7a: {  	_ =	shalt  }
0x7b: {  	_ =	shalt  }
0x7c: {  	_ =	shalt  }
0x7d: {  	_ =	shalt  }
0x7e: {  	_ =	shalt  }
0x7f: {  	_ =	shalt  }
0x80: {  	_ =	shalt  }
0x81: {  	_ =	shalt  }
0x82: {  	_ =	shalt  }
0x83: {  	_ =	shalt  }
0x84: {  	_ =	shalt  }
0x85: {  	_ =	shalt  }
0x86: {  	_ =	shalt  }
0x87: {  	_ =	shalt  }
.Lfunc_end0:
.L_simem_size_0:
called_computation_lowered:
.L_overlay_start_0:
0x88: {  	s2 =	sld [smem:$0x3FD9]  }
0x89: {  	s3 =	sld [smem:$0x3FFE];
	_ =	sdelay $0x1  }
0x8a: {  	s1 =	srdreg.scid  }
0x8b: {  	s0 =	sand.u32 $0x1, s1  }
0x8c: {  	s17 =	sshll.u32 s0, $0xA;
	s2 =	sadd.s32 s3, s2  }
0x8d: {  	s2 =	sadd.s32 s2, s17  }
0x8e: {  	[smem:$0x3FC4] =	sst s2  }
0x8f: {  	_ = 	snop  }
0x90: {  	s2 =	sld [smem:$0x3FC9]  }
0x91: {  	s18 =	sld [smem:$0x3FC8]  }
0x92: {  	s4 =	sld [smem:$0x3FC7]  }
0x93: {  	s5 =	sld [smem:$0x3FC6];
	(tm) =	ssettm $0x1  }
0x94: {  	s6 =	sld [smem:$0x3FFB];
	_ =	sdelay $0x3  }
0x95: {  	_ =	strace s6  }
0x96: {  	s6 =	sld [smem:$0x3FFC];
	_ =	sdelay $0x3  }
0x97: {  	_ =	strace s6  }
0x98: {  	s6 =	sld [smem:$0x3FFD];
	_ =	sdelay $0x3  }
0x99: {  	_ =	strace s6  }
0x9a: {  	_ =	strace $0x8FFFFFFF  }
0x9b: {  	s19 =	sld [smem:$0x3FDB];
	_ =	sdelay $0x1  }
0x9c: {  	s7 =	simm.s32 $_scs_section_size  }
0x9d: {  	s8 =	simm.s32 $_size__tile_overlayer_lowered;
	s9 =	simm.s32 $_tile_overlayer_lowered  }
0x9e: {  	s22 =	simm.s32 $0x1BFF;
	s21 =	sshll.u32 s9, $0x1;
	s6 =	sadd.s32 s7, s19  }
0x9f: {  	s10 =	simm.s32 $0x0;
	s20 =	sshll.u32 s8, $0x1;
	s8 =	sadd.s32 s21, s6  }
0xa0: {  	[timem:s10], [sflag:s22] =	dma.local [hbm:s8], s20  }
0xa1: {  	_ =	swait.ge [sflag:s22], s20  }
0xa2: {  	s7 =	ssub.s32 $0x0, s20;
	[sflag:s22] =	ssyncset.done $0x0  }
0xa3: {  	[sflag:s22] =	ssyncadd.s32 s7;
	_ =	sdelay $0x1  }
0xa4: {  	s23 =	simm.s32 $0x1B8B  }
0xa5: {  	_ =	swait.ge [sflag:s23], $0x1  }
0xa6: {  	[sflag:s23] =	ssyncset.done $0x0  }
0xa7: {  	s25 =	simm.s32 $0x1B8E;
	s24 =	sld [smem:$0x3FFE];
	[sflag:s23] =	ssyncadd.s32 $0xFFFFFFFF  }
0xa8: {  	s26 =	simm.s32 $execute0_lowered;
	[smem:$0x3FD2] =	sst s25  }
0xa9: {  	s8 =	sshll.u32 s26, $0x1;
	_ =	strace $0x80000046;
	[dreg:$0x1] =	wrdreg $0xFFFFFFFF  }
0xaa: {  	s28 =	simm.s32 $_size_execute0_lowered;
	s6 =	sadd.s32 s6, s8;
	[dreg:$0x0] =	wrdreg $0x0  }
0xab: {  	s8 =	sshll.u32 s28, $0x1;
	[dreg:$0x2] =	wrdreg s6  }
0xac: {  	[dreg:$0x3] =	wrdreg s8  }
0xad: {  	[dreg:$0x4] =	wrdreg $0xC0  }
0xae: {  	_ =	task [dreg:s10], $0x5FFFF  }
0xaf: {  	[dreg:$0x1] =	wrdreg $0xFFFFFFFF  }
0xb0: {  	[dreg:$0x0] =	wrdreg $0x60  }
0xb1: {  	[dreg:$0x2] =	wrdreg s2  }
0xb2: {  	[dreg:$0x3] =	wrdreg s18  }
0xb3: {  	[dreg:$0x4] =	wrdreg s4  }
0xb4: {  	[dreg:$0x5] =	wrdreg s5  }
0xb5: {  	[dreg:$0x6] =	wrdreg s24  }
0xb6: {  	[dreg:$0x7] =	wrdreg $0x9  }
0xb7: {  	_ =	task.clear_ibuf [dreg:s10], $0x8FFFF;
	_ =	strace $0x90000046  }
0xb8: {  	s29 =	simm.s32 $0x9;
	_ =	strace $0x80000048  }
0xb9: {  	_ =	swait.ge [sflag:s29], $0x1  }
0xba: {  	[sflag:s29] =	ssyncadd.s32 $0xFFFFFFFF  }
0xbb: {  	_ =	strace $0x90000048  }
0xbc: {  	_ =	sfence  }
0xbd: {  	s30 =	sld [smem:$0x0];
	_ =	sdelay $0x2  }
0xbe: {  	s31 =	sshll.u32 s1, $0xD;
	s1 =	sshrl.u32 s1, $0x2  }
0xbf: {  	s3 =	sand.u32 $0x4000, s31;
	s1 =	sadd.s32 s1, s30  }
0xc0: {  	s0 =	sor.u32 s3, s0;
	s1 =	sshll.u32 s1, $0x11  }
0xc1: {  	s0 =	sor.u32 s1, s0  }
0xc2: {  	s0 =	sadd.s32 $0x8F2B, s0  }
0xc3: {  	[sflag:s0] =	ssyncadd.remote.s32 $0x1  }
0xc4: {  	_ =	sfence.sel $0xFFFF  }
0xc5: {  	[dreg:$0x0] =	wrdreg $0xFFFFFFFF;
	(pc) =	sbr.abs _section_cstart, $3  }
0xc6: {  	[dreg:$0x1] =	wrdreg $0xFFFFFFFF  }
0xc7: {  	_ =	task.clear_ibuf [dreg:s10], $0x2FFFF;
	_ =	strace $0x9FFFFFFF  }
0xc8: {  	(tm) =	ssettm $0x7FFFFFFF  }
0xc9: {  	_ =	shalt  }
tec
execute0_lowered:
.L_overlay_start_1:
0x0: {  	(tag) =	ssettag $0x1  }
0x1: {  	s0 =	rddreg [dreg:$0x0]  }
0x2: {  	s2 =	rddreg [dreg:$0x1]  }
0x3: {  	s1 =	rddreg [dreg:$0x2]  }
0x4: {  	s3 =	rddreg [dreg:$0x3]  }
0x5: {  	s5 =	rddreg [dreg:$0x4]  }
0x6: {  	s6 =	srdreg.scid;
	s7 =	stileid.u32;
	s4 =	simm.s32 $0x0  }
0x7: {  	s12 =	simm.s32 $0x12400;
	s13 =	simm.s32 $0x16400;
	s14 =	simm.s32 $0x8  }
0x8: {  	s15 =	simm.s32 $0x80;
	s18 =	simm.s32 $0x100;
	s20 =	simm.s32 $0x180  }
0x9: {  	s28 =	simm.s32 $0x2;
	s29 =	simm.s32 $0x6;
	s30 =	simm.s32 $0x3  }
0xa: {  	s31 =	simm.s32 $0x7;
	s16 =	simm.s32 $0x1A400;
	s17 =	simm.s32 $0x0  }
0xb: {  	s6 =	sand.u32 $0x1, s6;
	s7 =	sshll.u32 s7, $0x1;
	[smem:$0x7FF] =	sst s4  }
0xc: {  	s7 =	sor.u32 s6, s7;
	_ =	strace $0x80000047;
	s6 =	ssub.s32 $0x2, s6  }
0xd: {  	s8 =	sshll.u32 s7, $0x4;
	s24 =	sshll.u32 s7, $0xD;
	s25 =	sshrl.u32 s6, $0x1  }
0xe: {  	s26 =	sshll.u32 s7, $0x6;
	s10 =	sadd.s32 s8, s5;
	s5 =	sadd.s32 s0, s24  }
0xf: {  	s11 =	ssub.s32 s6, s25;
	s7 =	sadd.s32 s2, s26;
	s24 =	simm.s32 $0x300  }
0x10: {  	s25 =	simm.s32 $0x380;
	s26 =	simm.s32 $0x1;
	s0 =	simm.s32 $0x4  }
0x11: {  	s2 =	simm.s32 $0x5;
	s6 =	sadd.s32 $0x800, s5;
	s8 =	sadd.s32 $0x1000, s5  }
0x12: {  	s9 =	sadd.s32 $0x1800, s5;
	s10 =	sadd.s32 $0x800, s10;
	s11 =	smax.u32 s11, $0x1  }
.LBB2_1:
0x13: {  	[tilespmem:s12], [sflag:$0x6] =	stream.linear.gather [hbm4b:s5+s4], $0x4000, $0x38;
	[tilespmem:$0x1A480] =	vst v63  }
0x14: {  	_ = 	snop  }
0x15: {  	[tilespmem:s13], [sflag:$0x7] =	stream.linear.gather [hbm4b:s6+s4], $0x4000, $0x38;
	[tilespmem:$0x1A480] =	vst v63  }
0x16: {  	_ = 	snop  }
0x17: {  	[tilespmem:s4], [sflag:$0x8] =	stream.linear.gather [hbm4b:s7+s4], $0x200, $0x38;
	[tilespmem:$0x1A480] =	vst v63  }
0x18: {  	_ =	swait.ge [sflag:s14], $0x200  }
0x19: {  	[sflag:s14] =	ssyncset.done $0x0  }
0x1a: {  	s19 =	simm.s32 $0x2400;
	[sflag:s14] =	ssyncadd.s32 $0xFFFFFE00  }
0x1b: {  	[tilespmem:s19], [sflag:$0x2] =	stream.indirect.gather [hbm4b:s1+s15], $0x80, s4, s15, $0xb8;
	[tilespmem:$0x1A480] =	vst v63  }
0x1c: {  	s21 =	simm.s32 $0x6400  }
0x1d: {  	[tilespmem:s21], [sflag:$0x3] =	stream.indirect.gather [hbm4b:s1+s15], $0x80, s15, s15, $0xb8;
	[tilespmem:$0x1A480] =	vst v63  }
0x1e: {  	s22 =	simm.s32 $0xA400  }
0x1f: {  	[tilespmem:s22], [sflag:$0x4] =	stream.indirect.gather [hbm4b:s1+s15], $0x80, s18, s15, $0xb8;
	[tilespmem:$0x1A480] =	vst v63  }
0x20: {  	s23 =	simm.s32 $0xE400  }
0x21: {  	[tilespmem:s23], [sflag:$0x5] =	stream.indirect.gather [hbm4b:s1+s15], $0x80, s20, s15, $0xb8;
	[tilespmem:$0x1A480] =	vst v63  }
0x22: {  	s21 =	simm.s32 $0x200  }
0x23: {  	[tilespmem:s21], [sflag:$0x1] =	stream.indirect.gather [hbm4b:s3+s15], $0x1, s4, s15, $0xb8;
	[tilespmem:$0x1A480] =	vst v63  }
0x24: {  	s22 =	simm.s32 $0x280  }
0x25: {  	[tilespmem:s22], [sflag:$0x1] =	stream.indirect.gather [hbm4b:s3+s15], $0x1, s15, s15, $0xb8;
	[tilespmem:$0x1A480] =	vst v63  }
0x26: {  	_ = 	snop  }
0x27: {  	[tilespmem:s24], [sflag:$0x1] =	stream.indirect.gather [hbm4b:s3+s15], $0x1, s18, s15, $0xb8;
	[tilespmem:$0x1A480] =	vst v63  }
0x28: {  	_ = 	snop  }
0x29: {  	[tilespmem:s25], [sflag:$0x1] =	stream.indirect.gather [hbm4b:s3+s15], $0x1, s20, s15, $0xb8;
	[tilespmem:$0x1A480] =	vst v63  }
0x2a: {  	_ =	swait.ge [sflag:s26], $0x80  }
0x2b: {  	[sflag:s26] =	ssyncset.done $0x0  }
0x2c: {  	[sflag:s26] =	ssyncadd.s32 $0xFFFFFF80  }
0x2d: {  	_ =	swait.ge [sflag:s26], $0x80  }
0x2e: {  	[sflag:s26] =	ssyncset.done $0x0  }
0x2f: {  	[sflag:s26] =	ssyncadd.s32 $0xFFFFFF80  }
0x30: {  	_ =	swait.ge [sflag:s26], $0x80  }
0x31: {  	[sflag:s26] =	ssyncset.done $0x0  }
0x32: {  	[sflag:s26] =	ssyncadd.s32 $0xFFFFFF80  }
0x33: {  	_ =	swait.ge [sflag:s26], $0x80  }
0x34: {  	[sflag:s26] =	ssyncset.done $0x0  }
0x35: {  	s23 =	simm.s32 $0x0;
	[sflag:s26] =	ssyncadd.s32 $0xFFFFFF80  }
0x36: {  	v0 =	vld [tilespmem:s23+$0x200];
	_ =	sdelay $0x4  }
0x37: {  	v1 =	vbroadcast v0, $0x0  }
0x38: {  	s19 =	simm.s32 $0x480;
	v2 =	vbroadcast v0, $0x1  }
0x39: {  	v3 =	vbroadcast v0, $0x2;
	[tilespmem:s19+$0xFFFFFF80] =	vst v1  }
0x3a: {  	v52 =	vbroadcast v0, $0x3;
	[tilespmem:s19+$0xFFFFFF90] =	vst v2  }
0x3b: {  	v53 =	vbroadcast v0, $0x4;
	[tilespmem:s19+$0xFFFFFFA0] =	vst v3  }
0x3c: {  	v54 =	vbroadcast v0, $0x5;
	[tilespmem:s19+$0xFFFFFFB0] =	vst v52  }
0x3d: {  	v55 =	vbroadcast v0, $0x6;
	[tilespmem:s19+$0xFFFFFFC0] =	vst v53  }
0x3e: {  	v56 =	vbroadcast v0, $0x7;
	[tilespmem:s19+$0xFFFFFFD0] =	vst v54  }
0x3f: {  	v57 =	vbroadcast v0, $0x8;
	[tilespmem:s19+$0xFFFFFFE0] =	vst v55  }
0x40: {  	v58 =	vbroadcast v0, $0x9;
	[tilespmem:s19+$0xFFFFFFF0] =	vst v56  }
0x41: {  	v59 =	vbroadcast v0, $0xA;
	[tilespmem:s19+$0x0] =	vst v57  }
0x42: {  	v60 =	vbroadcast v0, $0xB;
	[tilespmem:s19+$0x10] =	vst v58  }
0x43: {  	v61 =	vbroadcast v0, $0xC;
	[tilespmem:s19+$0x20] =	vst v59  }
0x44: {  	v62 =	vbroadcast v0, $0xD;
	[tilespmem:s19+$0x30] =	vst v60  }
0x45: {  	v63 =	vbroadcast v0, $0xE;
	[tilespmem:s19+$0x40] =	vst v61  }
0x46: {  	v0 =	vbroadcast v0, $0xF;
	[tilespmem:s19+$0x50] =	vst v62  }
0x47: {  	[tilespmem:s19+$0x60] =	vst v63  }
0x48: {  	s21 =	simm.s32 $0x80;
	s22 =	simm.s32 $0x10;
	[tilespmem:s19+$0x70] =	vst v0  }
.LBB2_2:
0x49: {  	p0 =	sne.s32 s21, $0x7C0;
	v0 =	vld [tilespmem:s22+$0x200];
	_ =	sdelay $0x4  }
0x4a: {  	v1 =	vbroadcast v0, $0x0;
	v2 =	vbroadcast v0, $0x1  }
0x4b: {  	s19 =	sadd.s32 $0x100, s19;
	v3 =	vbroadcast v0, $0x2;
	v4 =	vbroadcast v0, $0x3  }
0x4c: {  	v5 =	vbroadcast v0, $0x5;
	[tilespmem:s19+$0xFFFFFF80] =	vst v1;
	v1 =	vbroadcast v0, $0x4  }
0x4d: {  	v6 =	vbroadcast v0, $0x7;
	[tilespmem:s19+$0xFFFFFF90] =	vst v2;
	v2 =	vbroadcast v0, $0x6  }
0x4e: {  	v7 =	vbroadcast v0, $0x9;
	[tilespmem:s19+$0xFFFFFFA0] =	vst v3;
	v3 =	vbroadcast v0, $0x8  }
0x4f: {  	v8 =	vbroadcast v0, $0xB;
	[tilespmem:s19+$0xFFFFFFB0] =	vst v4;
	v4 =	vbroadcast v0, $0xA  }
0x50: {  	v9 =	vbroadcast v0, $0xD;
	[tilespmem:s19+$0xFFFFFFC0] =	vst v1;
	v1 =	vbroadcast v0, $0xC  }
0x51: {  	[tilespmem:s19+$0xFFFFFFD0] =	vst v5;
	v5 =	vbroadcast v0, $0xE;
	v0 =	vbroadcast v0, $0xF  }
0x52: {  	[tilespmem:s19+$0xFFFFFFE0] =	vst v2  }
0x53: {  	[tilespmem:s19+$0xFFFFFFF0] =	vst v6  }
0x54: {  	[tilespmem:s19+$0x0] =	vst v3  }
0x55: {  	[tilespmem:s19+$0x10] =	vst v7  }
0x56: {  	[tilespmem:s19+$0x20] =	vst v4  }
.Ltmp0:
0x57: {  	[tilespmem:s19+$0x30] =	vst v8;
	(pc) =	sbr.rel @p0 .LBB2_2-.Ltmp0, $4  }
0x58: {  	[tilespmem:s19+$0x40] =	vst v1  }
0x59: {  	[tilespmem:s19+$0x50] =	vst v9  }
0x5a: {  	[tilespmem:s19+$0x60] =	vst v5  }
0x5b: {  	s22 =	sshra.s32 s21, $0x2;
	s21 =	sadd.s32 $0x40, s21;
	[tilespmem:s19+$0x70] =	vst v0  }
0x5c: {  	v0 =	vld [tilespmem:s22+$0x200];
	_ =	sdelay $0x4  }
0x5d: {  	v1 =	vbroadcast v0, $0x0  }
0x5e: {  	s19 =	sadd.s32 $0x100, s19;
	v2 =	vbroadcast v0, $0x1  }
0x5f: {  	v3 =	vbroadcast v0, $0x2;
	[tilespmem:s19+$0xFFFFFF80] =	vst v1  }
0x60: {  	v1 =	vbroadcast v0, $0x3;
	[tilespmem:s19+$0xFFFFFF90] =	vst v2  }
0x61: {  	v2 =	vbroadcast v0, $0x4;
	[tilespmem:s19+$0xFFFFFFA0] =	vst v3  }
0x62: {  	v3 =	vbroadcast v0, $0x5;
	[tilespmem:s19+$0xFFFFFFB0] =	vst v1  }
0x63: {  	v1 =	vbroadcast v0, $0x6;
	[tilespmem:s19+$0xFFFFFFC0] =	vst v2  }
0x64: {  	v2 =	vbroadcast v0, $0x7;
	[tilespmem:s19+$0xFFFFFFD0] =	vst v3  }
0x65: {  	v3 =	vbroadcast v0, $0x8;
	[tilespmem:s19+$0xFFFFFFE0] =	vst v1  }
0x66: {  	v1 =	vbroadcast v0, $0x9;
	[tilespmem:s19+$0xFFFFFFF0] =	vst v2  }
0x67: {  	v2 =	vbroadcast v0, $0xA;
	[tilespmem:s19+$0x0] =	vst v3  }
0x68: {  	v3 =	vbroadcast v0, $0xB;
	[tilespmem:s19+$0x10] =	vst v1  }
0x69: {  	v1 =	vbroadcast v0, $0xC;
	[tilespmem:s19+$0x20] =	vst v2  }
0x6a: {  	v2 =	vbroadcast v0, $0xD;
	[tilespmem:s19+$0x30] =	vst v3  }
0x6b: {  	v3 =	vbroadcast v0, $0xE;
	[tilespmem:s19+$0x40] =	vst v1  }
0x6c: {  	v0 =	vbroadcast v0, $0xF;
	[tilespmem:s19+$0x50] =	vst v2  }
0x6d: {  	[tilespmem:s19+$0x60] =	vst v3  }
0x6e: {  	[tilespmem:s19+$0x70] =	vst v0  }
0x6f: {  	_ =	swait.ge [sflag:s28], $0x4000  }
0x70: {  	[sflag:s28] =	ssyncset.done $0x0  }
0x71: {  	[sflag:s28] =	ssyncadd.s32 $0xFFFFC000  }
0x72: {  	_ =	swait.ge [sflag:s29], $0x4000  }
0x73: {  	[sflag:s29] =	ssyncset.done $0x0  }
0x74: {  	s23 =	simm.s32 $0x12480;
	[sflag:s29] =	ssyncadd.s32 $0xFFFFC000  }
0x75: {  	v2 =	vld [tilespmem:s23+$0x20]  }
0x76: {  	s19 =	simm.s32 $0x2480;
	v3 =	vld [tilespmem:s23+$0x40]  }
0x77: {  	v4 =	vld [tilespmem:s19+$0x40]  }
0x78: {  	v5 =	vld [tilespmem:s23+$0x0]  }
0x79: {  	v6 =	vld [tilespmem:s19+$0x0]  }
0x7a: {  	v8 =	vld [tilespmem:s19+$0x20]  }
0x7b: {  	v0 =	vld [tilespmem:s19+$0x70]  }
0x7c: {  	v9 =	vld [tilespmem:s23+$0x70]  }
0x7d: {  	s21 =	simm.s32 $0x410;
	v13 =	vld [tilespmem:s19+$0x10]  }
0x7e: {  	v1 =	vld [tilespmem:s21+$0x0]  }
0x7f: {  	v14 =	vld [tilespmem:s23+$0xFFFFFFC0]  }
0x80: {  	v16 =	vld [tilespmem:s23+$0x10]  }
0x81: {  	v15 =	vld [tilespmem:s19+$0xFFFFFFC0]  }
0x82: {  	v7 =	vld [tilespmem:s23+$0xFFFFFF80]  }
0x83: {  	v10 =	vld [tilespmem:s19+$0xFFFFFF80]  }
0x84: {  	v17 =	vld [tilespmem:s19+$0xFFFFFFE0]  }
0x85: {  	v19 =	vld [tilespmem:s23+$0xFFFFFF90]  }
0x86: {  	v21 =	vld [tilespmem:s19+$0xFFFFFF90]  }
0x87: {  	v18 =	vld [tilespmem:s23+$0xFFFFFFE0]  }
0x88: {  	v11 =	vld [tilespmem:s23+$0xFFFFFFA0]  }
0x89: {  	v22 =	vld [tilespmem:s23+$0xFFFFFFD0]  }
0x8a: {  	v12 =	vld [tilespmem:s19+$0xFFFFFFA0]  }
0x8b: {  	v23 =	vld [tilespmem:s19+$0xFFFFFFD0]  }
0x8c: {  	v34 =	vld [tilespmem:s19+$0xFFFFFFB0]  }
0x8d: {  	v26 =	vld [tilespmem:s19+$0xFFFFFFF0];
	v7 =	vsub.f32 v7, v10;
	v15 =	vsub.f32 v14, v15  }
0x8e: {  	v28 =	vld [tilespmem:s23+$0x30];
	v18 =	vsub.f32 v18, v17;
	v20 =	vsub.f32 v16, v13  }
0x8f: {  	v10 =	vld [tilespmem:s21+$0xFFFFFFF0];
	v14 =	vsub.f32 v9, v0;
	v0 =	vsub.f32 v19, v21  }
0x90: {  	v13 =	vld [tilespmem:s23+$0xFFFFFFF0];
	v24 =	vsub.f32 v22, v23;
	v5 =	vsub.f32 v5, v6  }
0x91: {  	v9 =	vimm.f32 $0.0e+00;
	v22 =	vld [tilespmem:s23+$0xFFFFFFB0];
	v21 =	vsub.f32 v2, v8;
	v19 =	vsub.f32 v3, v4  }
0x92: {  	v33 =	vld [tilespmem:s19+$0x30];
	v8 =	vimm.f32 $0.0e+00;
	v23 =	vmul.f32 v20, v1;
	v17 =	vmul.f32 v14, v1  }
0x93: {  	v25 =	vld [tilespmem:s19+$0x60];
	v6 =	vimm.f32 $0.0e+00;
	v2 =	vmul.f32 v5, v1;
	v29 =	vmul.f32 v21, v1  }
0x94: {  	v30 =	vld [tilespmem:s23+$0x60];
	v3 =	vimm.f32 $0.0e+00;
	v16 =	vmul.f32 v7, v10;
	v31 =	vmul.f32 v18, v10  }
0x95: {  	v32 =	vld [tilespmem:s19+$0x50];
	v27 =	vmul.f32 v15, v10;
	v35 =	vmul.f32 v24, v10;
	v26 =	vsub.f32 v13, v26  }
0x96: {  	s22 =	simm.s32 $0x0;
	v36 =	vmul.f32 v0, v10;
	v22 =	vsub.f32 v22, v34;
	v13 =	vmul.f32 v2, v5;
	v34 =	vld [tilespmem:s23+$0x50];
	s23 =	simm.s32 $0x12580  }
.LBB2_4:
0x97: {  	v2 =	vld [tilespmem:s23+$0x20];
	s22 =	sadd.s32 $0x2, s22;
	v4 =	vsub.f32 v28, v33;
	v5 =	vmul.f32 v19, v1;
	v14 =	vmul.f32 v17, v14;
	s21 =	sadd.s32 $0x20, s21;
	s19 =	sadd.s32 $0x100, s19  }
0x98: {  	v24 =	vmul.f32 v35, v24;
	v37 =	vld [tilespmem:s23+$0x40];
	p0 =	slt.u32 s22, $0x7E;
	v17 =	vmul.f32 v22, v10  }
0x99: {  	v0 =	vmul.f32 v36, v0;
	v35 =	vld [tilespmem:s19+$0x40];
	v28 =	vmul.f32 v4, v1;
	v25 =	vsub.f32 v30, v25  }
0x9a: {  	v18 =	vmul.f32 v31, v18;
	v20 =	vmul.f32 v23, v20;
	v30 =	vld [tilespmem:s23+$0x0]  }
0x9b: {  	v0 =	vadd.f32 v0, v9;
	v9 =	vmul.f32 v26, v10;
	v31 =	vld [tilespmem:s19+$0x0];
	v23 =	vsub.f32 v34, v32  }
0x9c: {  	v11 =	vsub.f32 v11, v12;
	v12 =	vmul.f32 v27, v15;
	v15 =	vmul.f32 v29, v21;
	v32 =	vld [tilespmem:s19+$0x20]  }
0x9d: {  	v26 =	vmul.f32 v9, v26;
	v21 =	vld [tilespmem:s19+$0x70];
	v9 =	vmul.f32 v23, v1  }
0x9e: {  	v5 =	vmul.f32 v5, v19;
	v10 =	vmul.f32 v11, v10;
	v27 =	vld [tilespmem:s23+$0x70]  }
0x9f: {  	v7 =	vmul.f32 v16, v7;
	v4 =	vmul.f32 v28, v4;
	v0 =	vadd.f32 v24, v0;
	v19 =	vld [tilespmem:s19+$0x10]  }
0xa0: {  	v10 =	vmul.f32 v10, v11;
	v11 =	vmul.f32 v17, v22;
	v16 =	vld [tilespmem:s21+$0x0]  }
0xa1: {  	v7 =	vadd.f32 v7, v8;
	v0 =	vadd.f32 v20, v0;
	v8 =	vmul.f32 v9, v23;
	v17 =	vld [tilespmem:s23+$0xFFFFFFC0]  }
0xa2: {  	v22 =	vmul.f32 v25, v1;
	v6 =	vadd.f32 v10, v6;
	v3 =	vadd.f32 v11, v3;
	v20 =	vld [tilespmem:s23+$0x10]  }
0xa3: {  	v7 =	vadd.f32 v12, v7;
	v9 =	vadd.f32 v8, v0;
	v10 =	vld [tilespmem:s19+$0xFFFFFFC0]  }
0xa4: {  	v11 =	vmul.f32 v22, v25;
	v6 =	vadd.f32 v18, v6;
	v3 =	vadd.f32 v26, v3;
	v0 =	vld [tilespmem:s23+$0xFFFFFF80]  }
0xa5: {  	v7 =	vadd.f32 v13, v7;
	v18 =	vld [tilespmem:s19+$0xFFFFFF80];
	v1 =	vmov v16  }
0xa6: {  	v6 =	vadd.f32 v15, v6;
	v3 =	vadd.f32 v4, v3;
	v13 =	vld [tilespmem:s19+$0xFFFFFFE0]  }
0xa7: {  	v8 =	vadd.f32 v5, v7;
	v4 =	vld [tilespmem:s23+$0xFFFFFF90]  }
0xa8: {  	v6 =	vadd.f32 v11, v6;
	v3 =	vadd.f32 v14, v3;
	v5 =	vld [tilespmem:s19+$0xFFFFFF90]  }
0xa9: {  	v14 =	vld [tilespmem:s23+$0xFFFFFFE0]  }
0xaa: {  	v11 =	vld [tilespmem:s23+$0xFFFFFFA0]  }
0xab: {  	v16 =	vld [tilespmem:s23+$0xFFFFFFD0]  }
0xac: {  	v12 =	vld [tilespmem:s19+$0xFFFFFFA0]  }
0xad: {  	v7 =	vsub.f32 v0, v18;
	v22 =	vld [tilespmem:s19+$0xFFFFFFD0]  }
0xae: {  	v34 =	vld [tilespmem:s19+$0xFFFFFFB0]  }
0xaf: {  	v15 =	vsub.f32 v17, v10;
	v26 =	vld [tilespmem:s19+$0xFFFFFFF0]  }
0xb0: {  	v18 =	vsub.f32 v14, v13;
	v10 =	vld [tilespmem:s21+$0xFFFFFFF0]  }
0xb1: {  	v20 =	vsub.f32 v20, v19;
	v0 =	vsub.f32 v4, v5;
	v28 =	vld [tilespmem:s23+$0x30]  }
0xb2: {  	v14 =	vsub.f32 v27, v21;
	v24 =	vsub.f32 v16, v22;
	v4 =	vld [tilespmem:s23+$0xFFFFFFF0]  }
0xb3: {  	v23 =	vmul.f32 v20, v1;
	v21 =	vsub.f32 v2, v32;
	v5 =	vld [tilespmem:s23+$0xFFFFFFB0]  }
.Ltmp1:
0xb4: {  	v2 =	vsub.f32 v30, v31;
	v17 =	vmul.f32 v14, v1;
	v33 =	vld [tilespmem:s19+$0x30];
	(pc) =	sbr.rel @p0 .LBB2_4-.Ltmp1, $4  }
0xb5: {  	v16 =	vmul.f32 v7, v10;
	v31 =	vmul.f32 v18, v10;
	v25 =	vld [tilespmem:s19+$0x60]  }
0xb6: {  	v19 =	vsub.f32 v37, v35;
	v13 =	vmul.f32 v2, v1;
	v27 =	vmul.f32 v15, v10;
	v30 =	vld [tilespmem:s23+$0x60]  }
0xb7: {  	v29 =	vmul.f32 v21, v1;
	v35 =	vmul.f32 v24, v10;
	v26 =	vsub.f32 v4, v26;
	v32 =	vld [tilespmem:s19+$0x50]  }
0xb8: {  	v13 =	vmul.f32 v13, v2;
	v36 =	vmul.f32 v0, v10;
	v22 =	vsub.f32 v5, v34;
	v34 =	vld [tilespmem:s23+$0x50];
	s23 =	sadd.s32 $0x100, s23  }
0xb9: {  	s19 =	simm.s32 $0x0  }
0xba: {  	[tilespmem:s12], [sflag:$0x6] =	stream.linear.gather [hbm4b:s8+s19], $0x4000, $0x38;
	[tilespmem:$0x1A480] =	vst v63  }
0xbb: {  	_ =	swait.ge [sflag:s30], $0x4000  }
0xbc: {  	[sflag:s30] =	ssyncset.done $0x0  }
0xbd: {  	[sflag:s30] =	ssyncadd.s32 $0xFFFFC000  }
0xbe: {  	_ =	swait.ge [sflag:s31], $0x4000  }
0xbf: {  	[sflag:s31] =	ssyncset.done $0x0  }
0xc0: {  	s23 =	simm.s32 $0xC10;
	[sflag:s31] =	ssyncadd.s32 $0xFFFFC000  }
0xc1: {  	s21 =	simm.s32 $0x0;
	v4 =	vld [tilespmem:s23+$0xFFFFFFF0]  }
0xc2: {  	v2 =	vld [tilespmem:s21+$0x64F0]  }
0xc3: {  	v37 =	vld [tilespmem:s21+$0x6480]  }
0xc4: {  	v38 =	vld [tilespmem:s21+$0x16480]  }
0xc5: {  	v39 =	vld [tilespmem:s21+$0x6440]  }
0xc6: {  	v40 =	vld [tilespmem:s21+$0x16440]  }
0xc7: {  	v41 =	vld [tilespmem:s21+$0x16400]  }
0xc8: {  	v5 =	vld [tilespmem:s21+$0x64D0]  }
0xc9: {  	v42 =	vld [tilespmem:s21+$0x16470]  }
0xca: {  	v24 =	vmul.f32 v35, v24;
	v18 =	vmul.f32 v31, v18;
	v43 =	vld [tilespmem:s21+$0x6460]  }
0xcb: {  	v20 =	vmul.f32 v23, v20;
	v61 =	vmul.f32 v36, v0;
	v0 =	vld [tilespmem:s23+$0x0]  }
0xcc: {  	v11 =	vsub.f32 v11, v12;
	v12 =	vmul.f32 v26, v10;
	v15 =	vmul.f32 v27, v15;
	v23 =	vld [tilespmem:s21+$0x64A0]  }
0xcd: {  	v21 =	vmul.f32 v29, v21;
	v7 =	vmul.f32 v16, v7;
	v27 =	vld [tilespmem:s21+$0x164A0]  }
0xce: {  	v28 =	vsub.f32 v28, v33;
	v12 =	vmul.f32 v12, v26;
	v26 =	vmul.f32 v11, v10;
	v29 =	vld [tilespmem:s21+$0x16460]  }
0xcf: {  	v31 =	vmul.f32 v19, v1;
	v10 =	vmul.f32 v22, v10;
	v9 =	vadd.f32 v61, v9;
	v62 =	vld [tilespmem:s21+$0x6400]  }
0xd0: {  	v7 =	vadd.f32 v7, v8;
	v32 =	vsub.f32 v34, v32;
	v11 =	vmul.f32 v26, v11;
	v16 =	vld [tilespmem:s21+$0x6450]  }
0xd1: {  	v25 =	vsub.f32 v30, v25;
	v10 =	vmul.f32 v10, v22;
	v9 =	vadd.f32 v24, v9;
	v30 =	vld [tilespmem:s21+$0x16490]  }
0xd2: {  	v7 =	vadd.f32 v15, v7;
	v24 =	vmul.f32 v32, v1;
	v6 =	vadd.f32 v11, v6;
	v22 =	vld [tilespmem:s21+$0x16450]  }
0xd3: {  	v19 =	vmul.f32 v31, v19;
	v3 =	vadd.f32 v10, v3;
	v8 =	vadd.f32 v20, v9;
	v20 =	vld [tilespmem:s21+$0x16410]  }
0xd4: {  	v10 =	vmul.f32 v28, v1;
	v9 =	vmul.f32 v24, v32;
	v6 =	vadd.f32 v18, v6;
	v18 =	vld [tilespmem:s21+$0x6430]  }
0xd5: {  	v1 =	vmul.f32 v25, v1;
	v7 =	vadd.f32 v13, v7;
	v3 =	vadd.f32 v12, v3;
	v12 =	vld [tilespmem:s21+$0x16430]  }
0xd6: {  	v15 =	vld [tilespmem:s21+$0x6410];
	v11 =	vadd.f32 v9, v8;
	v8 =	vmul.f32 v10, v28  }
0xd7: {  	v1 =	vmul.f32 v1, v25;
	v24 =	vld [tilespmem:s21+$0x6420];
	v7 =	vadd.f32 v19, v7;
	v6 =	vadd.f32 v21, v6  }
0xd8: {  	v63 =	vld [tilespmem:s21+$0x164C0];
	v3 =	vadd.f32 v8, v3;
	v9 =	vsub.f32 v29, v43  }
0xd9: {  	v26 =	vld [tilespmem:s21+$0x164D0];
	v10 =	vmul.f32 v17, v14;
	v8 =	vadd.f32 v1, v6;
	v6 =	vsub.f32 v22, v16  }
0xda: {  	v14 =	vld [tilespmem:s21+$0x6470];
	v23 =	vsub.f32 v27, v23;
	v19 =	vsub.f32 v12, v18;
	v1 =	vmul.f32 v9, v4  }
0xdb: {  	v17 =	vld [tilespmem:s21+$0x16420];
	v10 =	vadd.f32 v10, v3;
	v3 =	vsub.f32 v41, v62;
	v13 =	vmul.f32 v6, v4  }
0xdc: {  	v22 =	vld [tilespmem:s21+$0x6490];
	v12 =	vmul.f32 v23, v0;
	v9 =	vmul.f32 v1, v9;
	v1 =	vsub.f32 v20, v15  }
0xdd: {  	v31 =	vsub.f32 v40, v39;
	v16 =	vmul.f32 v3, v4;
	v13 =	vmul.f32 v13, v6;
	v6 =	vld [tilespmem:s21+$0x64C0]  }
0xde: {  	v21 =	vsub.f32 v38, v37;
	v29 =	vmul.f32 v19, v4;
	v15 =	vld [tilespmem:s21+$0x64B0];
	v25 =	vmul.f32 v1, v4  }
0xdf: {  	v14 =	vsub.f32 v42, v14;
	v20 =	vld [tilespmem:s21+$0x164B0];
	v12 =	vmul.f32 v12, v23;
	v3 =	vmul.f32 v16, v3  }
0xe0: {  	v18 =	vsub.f32 v17, v24;
	v23 =	vld [tilespmem:s21+$0x64E0];
	v27 =	vmul.f32 v25, v1;
	v1 =	vmul.f32 v31, v4  }
0xe1: {  	v28 =	vmul.f32 v21, v0;
	v17 =	vmul.f32 v14, v4;
	v24 =	vsub.f32 v30, v22;
	v25 =	vld [tilespmem:s21+$0x164F0]  }
0xe2: {  	s22 =	simm.s32 $0xC30;
	s19 =	simm.s32 $0x0;
	v16 =	vld [tilespmem:s21+$0x164E0];
	v30 =	vadd.f32 v3, v7;
	s21 =	simm.s32 $0x400;
	v22 =	vsub.f32 v63, v6;
	v31 =	vmul.f32 v1, v31  }
.LBB2_6:
0xe3: {  	v1 =	vld [tilespmem:s22+$0xFFFFFFF0];
	s23 =	sshra.s32 s21, $0x2;
	s19 =	sadd.s32 $0x2, s19;
	v3 =	vadd.f32 v27, v11;
	v6 =	vmul.f32 v29, v19;
	v7 =	vmul.f32 v24, v0  }
0xe4: {  	v4 =	vmul.f32 v18, v4;
	v21 =	vmul.f32 v28, v21;
	v11 =	vld [tilespmem:s23+$0x64F0];
	p0 =	slt.u32 s19, $0x7E;
	v19 =	vadd.f32 v31, v30  }
0xe5: {  	v15 =	vsub.f32 v20, v15;
	v27 =	vld [tilespmem:s23+$0x6480];
	v7 =	vmul.f32 v7, v24;
	v20 =	vsub.f32 v26, v5  }
0xe6: {  	v5 =	vmul.f32 v22, v0;
	v24 =	vld [tilespmem:s23+$0x16480];
	v19 =	vadd.f32 v21, v19;
	v21 =	vsub.f32 v25, v2  }
0xe7: {  	v6 =	vadd.f32 v6, v10;
	v3 =	vadd.f32 v13, v3;
	v26 =	vmul.f32 v15, v0;
	v25 =	vld [tilespmem:s23+$0x6440]  }
0xe8: {  	v10 =	vmul.f32 v4, v18;
	v18 =	vmul.f32 v5, v22;
	v16 =	vsub.f32 v16, v23;
	v13 =	vld [tilespmem:s23+$0x16440];
	v4 =	vmovc v1  }
0xe9: {  	v14 =	vmul.f32 v17, v14;
	v15 =	vmul.f32 v26, v15;
	v1 =	vld [tilespmem:s23+$0x16400];
	v2 =	vmov v11  }
0xea: {  	v17 =	vmul.f32 v21, v0;
	v22 =	vadd.f32 v18, v19;
	v11 =	vmul.f32 v16, v0;
	v5 =	vld [tilespmem:s23+$0x64D0]  }
0xeb: {  	v8 =	vadd.f32 v10, v8;
	v6 =	vadd.f32 v14, v6;
	v10 =	vmul.f32 v20, v0;
	v18 =	vld [tilespmem:s23+$0x16470]  }
0xec: {  	v3 =	vadd.f32 v7, v3;
	v7 =	vmul.f32 v11, v16;
	v14 =	vld [tilespmem:s23+$0x6460]  }
0xed: {  	v8 =	vadd.f32 v9, v8;
	v6 =	vadd.f32 v15, v6;
	v9 =	vmul.f32 v17, v21;
	v0 =	vld [tilespmem:s22+$0x0]  }
0xee: {  	v11 =	vmul.f32 v10, v20;
	v16 =	vld [tilespmem:s23+$0x64A0]  }
0xef: {  	v8 =	vadd.f32 v12, v8;
	v10 =	vadd.f32 v9, v6;
	v17 =	vld [tilespmem:s23+$0x164A0]  }
0xf0: {  	v11 =	vadd.f32 v11, v3;
	v6 =	vld [tilespmem:s23+$0x16460]  }
0xf1: {  	v8 =	vadd.f32 v7, v8;
	v3 =	vld [tilespmem:s23+$0x6400]  }
0xf2: {  	v7 =	vld [tilespmem:s23+$0x6450]  }
0xf3: {  	v12 =	vld [tilespmem:s23+$0x16490]  }
0xf4: {  	v9 =	vld [tilespmem:s23+$0x16450]  }
0xf5: {  	v15 =	vld [tilespmem:s23+$0x16410]  }
0xf6: {  	v6 =	vsub.f32 v6, v14;
	v19 =	vld [tilespmem:s23+$0x6410]  }
0xf7: {  	v14 =	vld [tilespmem:s23+$0x6430]  }
0xf8: {  	v21 =	vmul.f32 v6, v4;
	v20 =	vld [tilespmem:s23+$0x16430]  }
0xf9: {  	v1 =	vsub.f32 v1, v3;
	v3 =	vld [tilespmem:s23+$0x6420];
	v7 =	vsub.f32 v9, v7  }
0xfa: {  	v9 =	vmul.f32 v21, v6;
	v6 =	vld [tilespmem:s23+$0x6470]  }
0xfb: {  	v23 =	vsub.f32 v15, v19;
	v26 =	vld [tilespmem:s23+$0x16420];
	v21 =	vmul.f32 v7, v4  }
0xfc: {  	v31 =	vsub.f32 v13, v25;
	v25 =	vld [tilespmem:s23+$0x6490]  }
0xfd: {  	v28 =	vmul.f32 v1, v4;
	v29 =	vmul.f32 v23, v4;
	v19 =	vsub.f32 v20, v14;
	v15 =	vld [tilespmem:s23+$0x64B0]  }
0xfe: {  	v13 =	vmul.f32 v21, v7;
	v7 =	vsub.f32 v17, v16;
	v32 =	vld [tilespmem:s23+$0x164C0]  }
0xff: {  	v1 =	vmul.f32 v28, v1;
	v21 =	vsub.f32 v24, v27;
	v33 =	vld [tilespmem:s23+$0x64C0]  }
.Ltmp2:
0x100: {  	v27 =	vmul.f32 v29, v23;
	v14 =	vsub.f32 v18, v6;
	v6 =	vmul.f32 v7, v0;
	v20 =	vld [tilespmem:s23+$0x164B0];
	(pc) =	sbr.rel @p0 .LBB2_6-.Ltmp2, $4  }
0x101: {  	v18 =	vsub.f32 v26, v3;
	v3 =	vmul.f32 v31, v4;
	v24 =	vsub.f32 v12, v25;
	v16 =	vld [tilespmem:s23+$0x164E0]  }
0x102: {  	v17 =	vmul.f32 v14, v4;
	v12 =	vmul.f32 v6, v7;
	v26 =	vld [tilespmem:s23+$0x164D0]  }
0x103: {  	v29 =	vmul.f32 v19, v4;
	v28 =	vmul.f32 v21, v0;
	v25 =	vld [tilespmem:s23+$0x164F0]  }
0x104: {  	s21 =	sadd.s32 $0x400, s21;
	s22 =	sadd.s32 $0x20, s22;
	v30 =	vadd.f32 v1, v22;
	v31 =	vmul.f32 v3, v31;
	v22 =	vsub.f32 v32, v33;
	v23 =	vld [tilespmem:s23+$0x64E0]  }
0x105: {  	s19 =	simm.s32 $0x0  }
0x106: {  	[tilespmem:s13], [sflag:$0x7] =	stream.linear.gather [hbm4b:s9+s19], $0x4000, $0x38;
	[tilespmem:$0x1A480] =	vst v63  }
0x107: {  	_ =	swait.ge [sflag:s0], $0x4000  }
0x108: {  	[sflag:s0] =	ssyncset.done $0x0  }
0x109: {  	[sflag:s0] =	ssyncadd.s32 $0xFFFFC000  }
0x10a: {  	_ =	swait.ge [sflag:s29], $0x4000  }
0x10b: {  	[sflag:s29] =	ssyncset.done $0x0  }
0x10c: {  	s23 =	simm.s32 $0x1410;
	[sflag:s29] =	ssyncadd.s32 $0xFFFFC000  }
0x10d: {  	s21 =	simm.s32 $0x0;
	v6 =	vld [tilespmem:s23+$0xFFFFFFF0]  }
0x10e: {  	v3 =	vld [tilespmem:s21+$0xA4F0]  }
0x10f: {  	v32 =	vld [tilespmem:s21+$0xA480]  }
0x110: {  	v33 =	vld [tilespmem:s21+$0x12480]  }
0x111: {  	v34 =	vld [tilespmem:s21+$0xA440]  }
0x112: {  	v35 =	vld [tilespmem:s21+$0x12440]  }
0x113: {  	v36 =	vld [tilespmem:s21+$0x12400]  }
0x114: {  	v7 =	vld [tilespmem:s21+$0xA4D0]  }
0x115: {  	v37 =	vld [tilespmem:s21+$0x12470]  }
0x116: {  	v38 =	vld [tilespmem:s21+$0xA460]  }
0x117: {  	v1 =	vld [tilespmem:s23+$0x0]  }
0x118: {  	v11 =	vadd.f32 v27, v11;
	v39 =	vld [tilespmem:s21+$0xA4A0]  }
0x119: {  	v19 =	vmul.f32 v29, v19;
	v21 =	vmul.f32 v28, v21;
	v15 =	vsub.f32 v20, v15;
	v27 =	vld [tilespmem:s21+$0x124A0]  }
0x11a: {  	v4 =	vmul.f32 v18, v4;
	v14 =	vmul.f32 v17, v14;
	v29 =	vadd.f32 v31, v30;
	v28 =	vld [tilespmem:s21+$0x12460]  }
0x11b: {  	v30 =	vmul.f32 v24, v0;
	v5 =	vsub.f32 v26, v5;
	v10 =	vadd.f32 v19, v10;
	v20 =	vld [tilespmem:s21+$0xA400]  }
0x11c: {  	v19 =	vmul.f32 v22, v0;
	v4 =	vmul.f32 v4, v18;
	v2 =	vsub.f32 v25, v2;
	v25 =	vld [tilespmem:s21+$0xA450]  }
0x11d: {  	v11 =	vadd.f32 v13, v11;
	v13 =	vmul.f32 v15, v0;
	v21 =	vadd.f32 v21, v29;
	v29 =	vld [tilespmem:s21+$0x12490]  }
0x11e: {  	v24 =	vmul.f32 v30, v24;
	v18 =	vmul.f32 v19, v22;
	v16 =	vsub.f32 v16, v23;
	v17 =	vld [tilespmem:s21+$0x12450]  }
0x11f: {  	v4 =	vadd.f32 v4, v8;
	v8 =	vmul.f32 v13, v15;
	v10 =	vadd.f32 v14, v10;
	v19 =	vld [tilespmem:s21+$0x12410]  }
0x120: {  	v15 =	vmul.f32 v5, v0;
	v13 =	vmul.f32 v2, v0;
	v22 =	vadd.f32 v18, v21;
	v14 =	vld [tilespmem:s21+$0xA410]  }
0x121: {  	v4 =	vadd.f32 v9, v4;
	v8 =	vadd.f32 v8, v10;
	v0 =	vmul.f32 v16, v0;
	v18 =	vld [tilespmem:s21+$0xA430]  }
0x122: {  	v9 =	vadd.f32 v24, v11;
	v5 =	vmul.f32 v15, v5;
	v2 =	vmul.f32 v13, v2;
	v13 =	vld [tilespmem:s21+$0x12430]  }
0x123: {  	v23 =	vld [tilespmem:s21+$0xA420];
	v0 =	vmul.f32 v0, v16;
	v4 =	vadd.f32 v12, v4;
	v11 =	vsub.f32 v28, v38  }
0x124: {  	v12 =	vadd.f32 v5, v9;
	v15 =	vld [tilespmem:s21+$0xA4B0];
	v10 =	vadd.f32 v2, v8  }
0x125: {  	v2 =	vld [tilespmem:s21+$0xA470];
	v8 =	vadd.f32 v0, v4;
	v16 =	vsub.f32 v17, v25;
	v5 =	vmul.f32 v11, v6  }
0x126: {  	v62 =	vld [tilespmem:s21+$0x124C0];
	v0 =	vsub.f32 v36, v20;
	v31 =	vsub.f32 v35, v34  }
0x127: {  	v17 =	vld [tilespmem:s21+$0x12420];
	v21 =	vsub.f32 v33, v32;
	v9 =	vmul.f32 v5, v11;
	v5 =	vsub.f32 v19, v14  }
0x128: {  	v4 =	vld [tilespmem:s21+$0xA490];
	v24 =	vsub.f32 v27, v39;
	v11 =	vmul.f32 v16, v6;
	v14 =	vmul.f32 v0, v6  }
0x129: {  	v63 =	vld [tilespmem:s21+$0xA4C0];
	v28 =	vmul.f32 v21, v1;
	v19 =	vsub.f32 v13, v18;
	v25 =	vmul.f32 v5, v6  }
0x12a: {  	v26 =	vld [tilespmem:s21+$0x124D0];
	v13 =	vmul.f32 v11, v16;
	v0 =	vmul.f32 v14, v0;
	v14 =	vsub.f32 v37, v2  }
0x12b: {  	v20 =	vld [tilespmem:s21+$0x124B0];
	v2 =	vmul.f32 v24, v1;
	v27 =	vmul.f32 v25, v5  }
0x12c: {  	v18 =	vsub.f32 v17, v23;
	v23 =	vld [tilespmem:s21+$0xA4E0];
	v5 =	vmul.f32 v31, v6;
	v17 =	vmul.f32 v14, v6  }
0x12d: {  	v11 =	vmul.f32 v2, v24;
	v24 =	vsub.f32 v29, v4;
	v29 =	vmul.f32 v19, v6;
	v25 =	vld [tilespmem:s21+$0x124F0]  }
0x12e: {  	s22 =	simm.s32 $0x1430;
	s19 =	simm.s32 $0x0;
	v16 =	vld [tilespmem:s21+$0x124E0];
	v30 =	vadd.f32 v0, v22;
	v22 =	vsub.f32 v62, v63;
	s21 =	simm.s32 $0x400;
	v31 =	vmul.f32 v5, v31  }
.LBB2_8:
0x12f: {  	v0 =	vld [tilespmem:s22+$0xFFFFFFF0];
	s23 =	sshra.s32 s21, $0x2;
	s19 =	sadd.s32 $0x2, s19;
	v2 =	vadd.f32 v27, v12;
	v4 =	vmul.f32 v29, v19;
	v5 =	vmul.f32 v24, v1  }
0x130: {  	v6 =	vmul.f32 v18, v6;
	v21 =	vmul.f32 v28, v21;
	v12 =	vld [tilespmem:s23+$0xA4F0];
	p0 =	slt.u32 s19, $0x7E;
	v19 =	vadd.f32 v31, v30  }
0x131: {  	v15 =	vsub.f32 v20, v15;
	v27 =	vld [tilespmem:s23+$0xA480];
	v5 =	vmul.f32 v5, v24;
	v20 =	vsub.f32 v26, v7  }
0x132: {  	v7 =	vmul.f32 v22, v1;
	v24 =	vld [tilespmem:s23+$0x12480];
	v19 =	vadd.f32 v21, v19;
	v21 =	vsub.f32 v25, v3  }
0x133: {  	v4 =	vadd.f32 v4, v10;
	v2 =	vadd.f32 v13, v2;
	v26 =	vmul.f32 v15, v1;
	v25 =	vld [tilespmem:s23+$0xA440]  }
0x134: {  	v10 =	vmul.f32 v6, v18;
	v18 =	vmul.f32 v7, v22;
	v16 =	vsub.f32 v16, v23;
	v13 =	vld [tilespmem:s23+$0x12440];
	v6 =	vmovc v0  }
0x135: {  	v14 =	vmul.f32 v17, v14;
	v15 =	vmul.f32 v26, v15;
	v0 =	vld [tilespmem:s23+$0x12400];
	v3 =	vmov v12  }
0x136: {  	v17 =	vmul.f32 v21, v1;
	v22 =	vadd.f32 v18, v19;
	v12 =	vmul.f32 v16, v1;
	v7 =	vld [tilespmem:s23+$0xA4D0]  }
0x137: {  	v8 =	vadd.f32 v10, v8;
	v4 =	vadd.f32 v14, v4;
	v10 =	vmul.f32 v20, v1;
	v18 =	vld [tilespmem:s23+$0x12470]  }
0x138: {  	v2 =	vadd.f32 v5, v2;
	v5 =	vmul.f32 v12, v16;
	v14 =	vld [tilespmem:s23+$0xA460]  }
0x139: {  	v8 =	vadd.f32 v9, v8;
	v4 =	vadd.f32 v15, v4;
	v9 =	vmul.f32 v17, v21;
	v1 =	vld [tilespmem:s22+$0x0]  }
0x13a: {  	v12 =	vmul.f32 v10, v20;
	v16 =	vld [tilespmem:s23+$0xA4A0]  }
0x13b: {  	v8 =	vadd.f32 v11, v8;
	v10 =	vadd.f32 v9, v4;
	v17 =	vld [tilespmem:s23+$0x124A0]  }
0x13c: {  	v12 =	vadd.f32 v12, v2;
	v4 =	vld [tilespmem:s23+$0x12460]  }
0x13d: {  	v8 =	vadd.f32 v5, v8;
	v2 =	vld [tilespmem:s23+$0xA400]  }
0x13e: {  	v5 =	vld [tilespmem:s23+$0xA450]  }
0x13f: {  	v11 =	vld [tilespmem:s23+$0x12490]  }
0x140: {  	v9 =	vld [tilespmem:s23+$0x12450]  }
0x141: {  	v15 =	vld [tilespmem:s23+$0x12410]  }
0x142: {  	v4 =	vsub.f32 v4, v14;
	v19 =	vld [tilespmem:s23+$0xA410]  }
0x143: {  	v14 =	vld [tilespmem:s23+$0xA430]  }
0x144: {  	v21 =	vmul.f32 v4, v6;
	v20 =	vld [tilespmem:s23+$0x12430]  }
0x145: {  	v0 =	vsub.f32 v0, v2;
	v2 =	vld [tilespmem:s23+$0xA420];
	v5 =	vsub.f32 v9, v5  }
0x146: {  	v9 =	vmul.f32 v21, v4;
	v4 =	vld [tilespmem:s23+$0xA470]  }
0x147: {  	v23 =	vsub.f32 v15, v19;
	v26 =	vld [tilespmem:s23+$0x12420];
	v21 =	vmul.f32 v5, v6  }
0x148: {  	v31 =	vsub.f32 v13, v25;
	v25 =	vld [tilespmem:s23+$0xA490]  }
0x149: {  	v28 =	vmul.f32 v0, v6;
	v29 =	vmul.f32 v23, v6;
	v19 =	vsub.f32 v20, v14;
	v15 =	vld [tilespmem:s23+$0xA4B0]  }
0x14a: {  	v13 =	vmul.f32 v21, v5;
	v5 =	vsub.f32 v17, v16;
	v32 =	vld [tilespmem:s23+$0x124C0]  }
0x14b: {  	v0 =	vmul.f32 v28, v0;
	v21 =	vsub.f32 v24, v27;
	v33 =	vld [tilespmem:s23+$0xA4C0]  }
.Ltmp3:
0x14c: {  	v27 =	vmul.f32 v29, v23;
	v14 =	vsub.f32 v18, v4;
	v4 =	vmul.f32 v5, v1;
	v20 =	vld [tilespmem:s23+$0x124B0];
	(pc) =	sbr.rel @p0 .LBB2_8-.Ltmp3, $4  }
0x14d: {  	v18 =	vsub.f32 v26, v2;
	v2 =	vmul.f32 v31, v6;
	v24 =	vsub.f32 v11, v25;
	v16 =	vld [tilespmem:s23+$0x124E0]  }
0x14e: {  	v17 =	vmul.f32 v14, v6;
	v11 =	vmul.f32 v4, v5;
	v26 =	vld [tilespmem:s23+$0x124D0]  }
0x14f: {  	v29 =	vmul.f32 v19, v6;
	v28 =	vmul.f32 v21, v1;
	v25 =	vld [tilespmem:s23+$0x124F0]  }
0x150: {  	s21 =	sadd.s32 $0x400, s21;
	s22 =	sadd.s32 $0x20, s22;
	v30 =	vadd.f32 v0, v22;
	v31 =	vmul.f32 v2, v31;
	v22 =	vsub.f32 v32, v33;
	v23 =	vld [tilespmem:s23+$0xA4E0]  }
0x151: {  	_ =	swait.ge [sflag:s2], $0x4000  }
0x152: {  	[sflag:s2] =	ssyncset.done $0x0  }
0x153: {  	[sflag:s2] =	ssyncadd.s32 $0xFFFFC000  }
0x154: {  	_ =	swait.ge [sflag:s31], $0x4000  }
0x155: {  	[sflag:s31] =	ssyncset.done $0x0  }
0x156: {  	s19 =	simm.s32 $0x1C10;
	[sflag:s31] =	ssyncadd.s32 $0xFFFFC000  }
0x157: {  	s21 =	simm.s32 $0x0;
	v4 =	vld [tilespmem:s19+$0xFFFFFFF0]  }
0x158: {  	v2 =	vld [tilespmem:s21+$0xE4F0]  }
0x159: {  	v32 =	vld [tilespmem:s21+$0xE480]  }
0x15a: {  	v33 =	vld [tilespmem:s21+$0x16480]  }
0x15b: {  	v34 =	vld [tilespmem:s21+$0xE440]  }
0x15c: {  	v35 =	vld [tilespmem:s21+$0x16440]  }
0x15d: {  	v36 =	vld [tilespmem:s21+$0x16400]  }
0x15e: {  	v5 =	vld [tilespmem:s21+$0xE4D0]  }
0x15f: {  	v37 =	vld [tilespmem:s21+$0x16470]  }
0x160: {  	v38 =	vld [tilespmem:s21+$0xE460]  }
0x161: {  	v0 =	vld [tilespmem:s19+$0x0]  }
0x162: {  	v12 =	vadd.f32 v27, v12;
	v19 =	vmul.f32 v29, v19;
	v39 =	vld [tilespmem:s21+$0xE4A0]  }
0x163: {  	v62 =	vmul.f32 v24, v1;
	v21 =	vmul.f32 v28, v21;
	v15 =	vsub.f32 v20, v15;
	v27 =	vld [tilespmem:s21+$0x164A0]  }
0x164: {  	v6 =	vmul.f32 v18, v6;
	v14 =	vmul.f32 v17, v14;
	v29 =	vadd.f32 v31, v30;
	v28 =	vld [tilespmem:s21+$0x16460]  }
0x165: {  	v7 =	vsub.f32 v26, v7;
	v24 =	vmul.f32 v62, v24;
	v10 =	vadd.f32 v19, v10;
	v20 =	vld [tilespmem:s21+$0xE400]  }
0x166: {  	v19 =	vmul.f32 v22, v1;
	v6 =	vmul.f32 v6, v18;
	v3 =	vsub.f32 v25, v3;
	v25 =	vld [tilespmem:s21+$0xE450]  }
0x167: {  	v12 =	vadd.f32 v13, v12;
	v13 =	vmul.f32 v15, v1;
	v21 =	vadd.f32 v21, v29;
	v18 =	vld [tilespmem:s21+$0x16490]  }
0x168: {  	v19 =	vmul.f32 v19, v22;
	v16 =	vsub.f32 v16, v23;
	v6 =	vadd.f32 v6, v8;
	v17 =	vld [tilespmem:s21+$0x16450]  }
0x169: {  	v8 =	vmul.f32 v13, v15;
	v10 =	vadd.f32 v14, v10;
	v13 =	vmul.f32 v3, v1;
	v22 =	vld [tilespmem:s21+$0x16410]  }
0x16a: {  	v15 =	vmul.f32 v7, v1;
	v6 =	vadd.f32 v9, v6;
	v9 =	vld [tilespmem:s21+$0xE430];
	v1 =	vmul.f32 v16, v1  }
0x16b: {  	v12 =	vadd.f32 v24, v12;
	v8 =	vadd.f32 v8, v10;
	v10 =	vld [tilespmem:s21+$0x16430];
	v3 =	vmul.f32 v13, v3  }
0x16c: {  	v19 =	vadd.f32 v19, v21;
	v7 =	vmul.f32 v15, v7;
	v1 =	vmul.f32 v1, v16;
	v16 =	vld [tilespmem:s21+$0xE470]  }
0x16d: {  	v14 =	vld [tilespmem:s21+$0xE410];
	v11 =	vadd.f32 v11, v6;
	v6 =	vadd.f32 v3, v8  }
0x16e: {  	v21 =	vld [tilespmem:s21+$0xE420];
	v8 =	vadd.f32 v7, v12;
	v13 =	vsub.f32 v28, v38  }
0x16f: {  	v24 =	vld [tilespmem:s21+$0x16420];
	v1 =	vadd.f32 v1, v11;
	v12 =	vsub.f32 v36, v20  }
0x170: {  	v29 =	vld [tilespmem:s21+$0x164C0];
	v7 =	vsub.f32 v17, v25;
	v15 =	vsub.f32 v10, v9;
	v3 =	vmul.f32 v13, v4  }
0x171: {  	v20 =	vld [tilespmem:s21+$0xE490];
	v28 =	vsub.f32 v35, v34;
	v17 =	vmul.f32 v12, v4;
	v10 =	vsub.f32 v37, v16  }
0x172: {  	v63 =	vld [tilespmem:s21+$0xE4C0];
	v25 =	vmul.f32 v15, v4;
	v3 =	vmul.f32 v3, v13;
	v13 =	vsub.f32 v22, v14  }
0x173: {  	v11 =	vld [tilespmem:s21+$0xE4B0];
	v14 =	vmul.f32 v7, v4;
	v22 =	vsub.f32 v27, v39;
	v26 =	vmul.f32 v17, v12  }
0x174: {  	v16 =	vld [tilespmem:s21+$0x164B0];
	v17 =	vsub.f32 v33, v32;
	v27 =	vmul.f32 v28, v4;
	v23 =	vmul.f32 v13, v4  }
0x175: {  	v12 =	vld [tilespmem:s21+$0x164E0];
	v9 =	vmul.f32 v14, v7;
	v7 =	vmul.f32 v22, v0  }
0x176: {  	v20 =	vsub.f32 v18, v20;
	v14 =	vsub.f32 v24, v21;
	v21 =	vld [tilespmem:s21+$0x164D0];
	v24 =	vmul.f32 v17, v0  }
0x177: {  	v18 =	vsub.f32 v29, v63;
	v23 =	vmul.f32 v23, v13;
	v7 =	vmul.f32 v7, v22;
	v22 =	vld [tilespmem:s21+$0x164F0]  }
0x178: {  	s22 =	simm.s32 $0x1C30;
	s19 =	simm.s32 $0x0;
	v26 =	vadd.f32 v26, v19;
	v27 =	vmul.f32 v27, v28;
	v19 =	vld [tilespmem:s21+$0xE4E0];
	v13 =	vmul.f32 v10, v4;
	s21 =	simm.s32 $0x400  }
.LBB2_10:
0x179: {  	v28 =	vld [tilespmem:s22+$0xFFFFFFF0];
	s23 =	sshra.s32 s21, $0x2;
	s19 =	sadd.s32 $0x2, s19;
	v8 =	vadd.f32 v23, v8;
	v15 =	vmul.f32 v25, v15;
	v23 =	vmul.f32 v20, v0  }
0x17a: {  	v4 =	vmul.f32 v14, v4;
	v17 =	vmul.f32 v24, v17;
	v25 =	vld [tilespmem:s23+$0xE4F0];
	p0 =	slt.u32 s19, $0x7E;
	v26 =	vadd.f32 v27, v26  }
0x17b: {  	v11 =	vsub.f32 v16, v11;
	v24 =	vld [tilespmem:s23+$0xE480];
	v20 =	vmul.f32 v23, v20;
	v16 =	vsub.f32 v21, v5  }
0x17c: {  	v5 =	vmul.f32 v18, v0;
	v21 =	vld [tilespmem:s23+$0x16480];
	v17 =	vadd.f32 v17, v26;
	v22 =	vsub.f32 v22, v2  }
0x17d: {  	v6 =	vadd.f32 v15, v6;
	v8 =	vadd.f32 v9, v8;
	v26 =	vmul.f32 v11, v0;
	v23 =	vld [tilespmem:s23+$0xE440]  }
0x17e: {  	v14 =	vmul.f32 v4, v14;
	v15 =	vmul.f32 v5, v18;
	v12 =	vsub.f32 v12, v19;
	v9 =	vld [tilespmem:s23+$0x16440];
	v4 =	vmovc v28  }
0x17f: {  	v10 =	vmul.f32 v13, v10;
	v11 =	vmul.f32 v26, v11;
	v18 =	vld [tilespmem:s23+$0x16400];
	v2 =	vmov v25  }
0x180: {  	v19 =	vadd.f32 v15, v17;
	v13 =	vmul.f32 v12, v0;
	v15 =	vmul.f32 v22, v0;
	v5 =	vld [tilespmem:s23+$0xE4D0]  }
0x181: {  	v1 =	vadd.f32 v14, v1;
	v6 =	vadd.f32 v10, v6;
	v10 =	vmul.f32 v16, v0;
	v25 =	vld [tilespmem:s23+$0x16470]  }
0x182: {  	v8 =	vadd.f32 v20, v8;
	v12 =	vmul.f32 v13, v12;
	v14 =	vld [tilespmem:s23+$0xE460]  }
0x183: {  	v1 =	vadd.f32 v3, v1;
	v3 =	vadd.f32 v11, v6;
	v6 =	vmul.f32 v15, v22;
	v0 =	vld [tilespmem:s22+$0x0]  }
0x184: {  	v10 =	vmul.f32 v10, v16;
	v13 =	vld [tilespmem:s23+$0xE4A0]  }
0x185: {  	v1 =	vadd.f32 v7, v1;
	v6 =	vadd.f32 v6, v3;
	v16 =	vld [tilespmem:s23+$0x164A0]  }
0x186: {  	v8 =	vadd.f32 v10, v8;
	v3 =	vld [tilespmem:s23+$0x16460]  }
0x187: {  	v1 =	vadd.f32 v12, v1;
	v7 =	vld [tilespmem:s23+$0xE400]  }
0x188: {  	v10 =	vld [tilespmem:s23+$0xE450]  }
0x189: {  	v12 =	vld [tilespmem:s23+$0x16490]  }
0x18a: {  	v11 =	vld [tilespmem:s23+$0x16450]  }
0x18b: {  	v15 =	vld [tilespmem:s23+$0x16410]  }
0x18c: {  	v3 =	vsub.f32 v3, v14;
	v17 =	vld [tilespmem:s23+$0xE410]  }
0x18d: {  	v14 =	vld [tilespmem:s23+$0xE430]  }
0x18e: {  	v22 =	vmul.f32 v3, v4;
	v20 =	vld [tilespmem:s23+$0x16430]  }
0x18f: {  	v7 =	vsub.f32 v18, v7;
	v18 =	vld [tilespmem:s23+$0xE420];
	v10 =	vsub.f32 v11, v10  }
0x190: {  	v3 =	vmul.f32 v22, v3;
	v22 =	vld [tilespmem:s23+$0xE470]  }
0x191: {  	v26 =	vsub.f32 v15, v17;
	v27 =	vld [tilespmem:s23+$0x16420];
	v17 =	vmul.f32 v10, v4  }
0x192: {  	v28 =	vsub.f32 v9, v23;
	v29 =	vld [tilespmem:s23+$0xE490]  }
0x193: {  	v23 =	vmul.f32 v7, v4;
	v30 =	vmul.f32 v26, v4;
	v15 =	vsub.f32 v20, v14;
	v11 =	vld [tilespmem:s23+$0xE4B0]  }
0x194: {  	v31 =	vsub.f32 v16, v13;
	v9 =	vmul.f32 v17, v10;
	v32 =	vld [tilespmem:s23+$0x164C0]  }
0x195: {  	v33 =	vmul.f32 v23, v7;
	v17 =	vsub.f32 v21, v24;
	v34 =	vld [tilespmem:s23+$0xE4C0]  }
.Ltmp4:
0x196: {  	v7 =	vmul.f32 v31, v0;
	v23 =	vmul.f32 v30, v26;
	v10 =	vsub.f32 v25, v22;
	v16 =	vld [tilespmem:s23+$0x164B0];
	(pc) =	sbr.rel @p0 .LBB2_10-.Ltmp4, $4  }
0x197: {  	v14 =	vsub.f32 v27, v18;
	v18 =	vmul.f32 v28, v4;
	v20 =	vsub.f32 v12, v29;
	v12 =	vld [tilespmem:s23+$0x164E0]  }
0x198: {  	v7 =	vmul.f32 v7, v31;
	v13 =	vmul.f32 v10, v4;
	v21 =	vld [tilespmem:s23+$0x164D0]  }
0x199: {  	v25 =	vmul.f32 v15, v4;
	v24 =	vmul.f32 v17, v0;
	v22 =	vld [tilespmem:s23+$0x164F0]  }
0x19a: {  	s21 =	sadd.s32 $0x400, s21;
	s22 =	sadd.s32 $0x20, s22;
	v26 =	vadd.f32 v33, v19;
	v27 =	vmul.f32 v18, v28;
	v18 =	vsub.f32 v32, v34;
	v19 =	vld [tilespmem:s23+$0xE4E0]  }
0x19b: {  	v51 =	vmul.f32 v20, v0;
	v15 =	vmul.f32 v25, v15  }
0x19c: {  	v8 =	vadd.f32 v23, v8;
	v17 =	vmul.f32 v24, v17;
	v4 =	vmul.f32 v14, v4  }
0x19d: {  	v11 =	vsub.f32 v16, v11;
	v10 =	vmul.f32 v13, v10;
	v52 =	vadd.f32 v27, v26  }
0x19e: {  	v54 =	vmul.f32 v18, v0;
	v20 =	vmul.f32 v51, v20;
	v5 =	vsub.f32 v21, v5  }
0x19f: {  	v6 =	vadd.f32 v15, v6;
	v4 =	vmul.f32 v4, v14;
	v8 =	vadd.f32 v9, v8  }
0x1a0: {  	v55 =	vmul.f32 v11, v0;
	v53 =	vadd.f32 v17, v52;
	v2 =	vsub.f32 v22, v2  }
0x1a1: {  	v56 =	vmul.f32 v54, v18;
	v12 =	vsub.f32 v12, v19;
	v1 =	vadd.f32 v4, v1  }
0x1a2: {  	v57 =	vmul.f32 v55, v11;
	v6 =	vadd.f32 v10, v6;
	v60 =	vmul.f32 v5, v0  }
0x1a3: {  	v58 =	vmul.f32 v2, v0;
	v59 =	vmul.f32 v12, v0;
	v1 =	vadd.f32 v3, v1  }
0x1a4: {  	v61 =	vadd.f32 v20, v8;
	v4 =	vadd.f32 v57, v6;
	v0 =	vmul.f32 v60, v5  }
0x1a5: {  	v2 =	vmul.f32 v58, v2;
	v62 =	vmul.f32 v59, v12;
	v1 =	vadd.f32 v7, v1  }
0x1a6: {  	v63 =	vadd.f32 v56, v53;
	v0 =	vadd.f32 v0, v61  }
0x1a7: {  	v2 =	vadd.f32 v2, v4;
	v1 =	vadd.f32 v62, v1;
	_ =	sdelay $0x1  }
0x1a8: {  	v0 =	vadd.f32 v0, v63;
	v1 =	vadd.f32 v2, v1;
	_ =	sdelay $0x1  }
0x1a9: {  	s17 =	sadd.s32 $0x1, s17;
	v0 =	vadd.f32 v1, v0  }
0x1aa: {  	p0 =	sne.s32 s17, s11  }
.Ltmp5:
0x1ab: {  	[tilespmem:$0x1A400] =	vst v0;
	(pc) =	sbr.rel @p0 .LBB2_1-.Ltmp5, $4  }
0x1ac: {  	[hbm4b:s10+s4] =	stream.linear.scatter [tilespmem:s16], [sflag:$0x8], $0x80, $0x38;
	[tilespmem:$0x1A480] =	vst v63  }
0x1ad: {  	_ =	swait.ge [sflag:s14], $0x80  }
0x1ae: {  	[sflag:s14] =	ssyncset.done $0x0  }
0x1af: {  	[sflag:s14] =	ssyncadd.s32 $0xFFFFFF80  }
0x1b0: {  	_ =	sfence.sel $0x180000  }
0x1b1: {  	[bflag:$0x0] =	sbarrier.arrive $0xFFFF  }
0x1b2: {  	_ =	strace $0x90000047  }
0x1b3: {  	s0 =	stileid.u32;
	[bflag:$0x2] =	sbarrier.arrive $0xFFFF  }
0x1b4: {  	p0 =	sne.s32 s0, $0x0;
	s0 =	rddreg [dreg:$0x5]  }
0x1b5: {  	s0 =	sadd.s32 @!p0 $0x100000, s0  }
0x1b6: {  	[sflag:s0] =	ssyncadd.tile.s32 @!p0 $0x1;
	_ =	shalt  }
.Lfunc_end2:
_tile_overlayer_lowered:
.L_overlay_start_2:
0x1b7: {  	(tag) =	ssettag $0x2  }
0x1b8: {  	s0 =	rddreg [dreg:$0x0];
	s2 =	stileid.u32  }
0x1b9: {  	s1 =	rddreg [dreg:$0x1];
	p0 =	sne.s32 s2, $0x0  }
0x1ba: {  	s3 =	rddreg [dreg:$0x2];
	[bflag:$0x3] =	sbarrier.arrive $0xFFFF;
	s2 =	simm.s32 @!p0 $0x1C08  }
0x1bb: {  	[timem:s3], [sflag:s2] =	dma.local @!p0 [hbm:s0], s1  }
0x1bc: {  	s0 =	simm.s32 @!p0 $0x8  }
0x1bd: {  	_ =	swait.ge @!p0 [sflag:s0], s1  }
0x1be: {  	s1 =	ssub.s32 @!p0 $0x0, s1;
	[sflag:s0] =	ssyncset.done @!p0 $0x0  }
0x1bf: {  	[sflag:s0] =	ssyncadd.s32 @!p0 s1  }
0x1c0: {  	[bflag:$0x3] =	sbarrier.arrive $0xFFFF  }
0x1c1: {  	_ =	shalt  }

</sc_bundles>
